<compile_context>
chip_gen: v7x
topology: tpu7x:2x2x1
jax: 0.10.2.dev20260603
libtpu: 0.0.44.dev20260713+nightly
codegen_flags: <defaults>
</compile_context>

<pallas_src>
import functools

import jax
import jax.numpy as jnp
from jax import lax
from jax.experimental import pallas as pl
from jax.experimental.pallas import tpu as pltpu
from jax.experimental.pallas import tpu_sc as plsc

_NUM_CLASS = 100000
_FEATURE_DIM = 32
_PARAM = 0.1
_BATCH = 1024

_NPAD = 102400
_BN = 10240
_G = _NPAD // _BN
_CHUNK = 128
_NCHUNK = _BN // _CHUNK

_LOG2E = 1.4426950408889634


def _make_sc_gather(batch, dim):
    info = plsc.get_sparse_core_info()
    nc, ns = info.num_cores, info.num_subcores
    nw = nc * ns
    b_per_w = batch // nw
    mesh = plsc.VectorSubcoreMesh(core_axis_name="c", subcore_axis_name="s")

    @functools.partial(
        pl.kernel,
        mesh=mesh,
        compiler_params=pltpu.CompilerParams(use_tc_tiling_on_sc=False),
        out_type=[
            jax.ShapeDtypeStruct((batch, dim), jnp.bfloat16),
            jax.ShapeDtypeStruct((batch, dim), jnp.bfloat16),
        ],
        scratch_types=[
            pltpu.VMEM((b_per_w,), jnp.int32),
            pltpu.VMEM((b_per_w, dim), jnp.bfloat16),
            pltpu.VMEM((b_per_w, dim), jnp.bfloat16),
            pltpu.SemaphoreType.DMA,
            pltpu.SemaphoreType.DMA,
        ],
    )
    def gather_two(w_hbm, c_hbm, t_hbm, wout_hbm, cout_hbm,
                   idx_v, wrows_v, crows_v, sem_w, sem_c):
        wid = lax.axis_index("s") * nc + lax.axis_index("c")
        base = wid * b_per_w
        pltpu.sync_copy(t_hbm.at[pl.ds(base, b_per_w)], idx_v)
        cp_w = pltpu.async_copy(w_hbm.at[idx_v], wrows_v, sem_w)
        cp_c = pltpu.async_copy(c_hbm.at[idx_v], crows_v, sem_c)
        cp_w.wait()
        cp_c.wait()
        pltpu.sync_copy(wrows_v, wout_hbm.at[pl.ds(base, b_per_w)])
        pltpu.sync_copy(crows_v, cout_hbm.at[pl.ds(base, b_per_w)])

    return gather_two


def _lse_body(xsb_ref, w_ref, srow_ref, s_ref):
    k = pl.program_id(0)
    xsb = xsb_ref[...]
    w = w_ref[...]

    @pl.when(k == 0)
    def _init():
        s_ref[...] = jnp.zeros_like(s_ref)

    acc = None
    for c in range(_NCHUNK):
        lc = lax.dot_general(
            xsb, w[:, c * _CHUNK:(c + 1) * _CHUNK], (((1,), (0,)), ((), ())),
            preferred_element_type=jnp.float32)
        e = jnp.exp2(lc)
        acc = e if acc is None else acc + e
    s_ref[...] += acc

    @pl.when(k == _G - 1)
    def _finish():
        srow_ref[...] = jnp.sum(s_ref[...], axis=1, keepdims=True)


def _combine_body(xs_ref, wrows_ref, crows_ref, srow_ref, out_ref):
    lse = jnp.log(srow_ref[...] - float(_NPAD - _NUM_CLASS))
    xs = xs_ref[...]
    wrows = wrows_ref[...].astype(jnp.float32)
    crows = crows_ref[...].astype(jnp.float32)
    soft = xs[:_BATCH, :]
    hard = xs[_BATCH:, :]
    tgt_soft = jnp.sum(soft * wrows, axis=1, keepdims=True)
    tgt_hard = jnp.sum(hard * wrows, axis=1, keepdims=True)
    loss_cls = (jnp.mean(lse[:_BATCH, :] - tgt_soft)
                + jnp.mean(lse[_BATCH:, :] - tgt_hard))
    quant = 0.5 * (jnp.sum((soft - crows) ** 2)
                   + jnp.sum((hard - crows) ** 2))
    out_ref[0, 0] = loss_cls + _PARAM * quant / _BATCH


def kernel(soft_x, hard_x, targets, weight, centers):
    xs = jnp.concatenate([soft_x, hard_x], axis=0)
    w_bf = jnp.pad(weight.astype(jnp.bfloat16).T,
                   ((0, 0), (0, _NPAD - _NUM_CLASS)))
    w16 = weight.astype(jnp.bfloat16)
    c16 = centers.astype(jnp.bfloat16)
    wrows, crows = _make_sc_gather(_BATCH, _FEATURE_DIM)(w16, c16, targets)
    xsb = (xs * _LOG2E).astype(jnp.bfloat16)
    srow = pl.pallas_call(
        _lse_body,
        grid=(_G,),
        in_specs=[
            pl.BlockSpec((2 * _BATCH, _FEATURE_DIM), lambda k: (0, 0)),
            pl.BlockSpec((_FEATURE_DIM, _BN), lambda k: (0, k)),
        ],
        out_specs=pl.BlockSpec((2 * _BATCH, 1), lambda k: (0, 0)),
        out_shape=jax.ShapeDtypeStruct((2 * _BATCH, 1), jnp.float32),
        scratch_shapes=[
            pltpu.VMEM((2 * _BATCH, _CHUNK), jnp.float32),
        ],
    )(xsb, w_bf)
    loss = pl.pallas_call(
        _combine_body,
        out_specs=pl.BlockSpec(memory_space=pltpu.SMEM),
        out_shape=jax.ShapeDtypeStruct((1, 1), jnp.float32),
    )(xs, wrows, crows, srow)
    return loss[0, 0]

# --- scband reference (transcript-rebuilt; emitter-appended) ---
"""Pipeline reference for scband-dpqjoint-class-loss-61916248539750 (READ-ONLY COPY).

The authoritative reference and input builder live on the scoring server;
editing this copy changes nothing except your own understanding.
"""

import jax, jax.numpy as jnp
import numpy as np

NUM_CLASS = 100000
FEATURE_DIM = 32
PARAM = 0.1
BATCH = 1024


def xavier_uniform(key, shape):
    fan_out, fan_in = shape
    limit = float(np.sqrt(6.0 / (fan_in + fan_out)))
    return jax.random.uniform(key, shape, minval=-limit, maxval=limit, dtype=jnp.float32)


def setup_inputs(seed: int = 0) -> dict:
    key = jax.random.key(seed)
    k1, k2, k3, k4, k5 = jax.random.split(key, 5)
    soft_x = jax.random.normal(k1, (BATCH, FEATURE_DIM), dtype=jnp.float32)
    hard_x = jax.random.normal(k2, (BATCH, FEATURE_DIM), dtype=jnp.float32)
    targets = jax.random.randint(k3, (BATCH,), 0, NUM_CLASS, dtype=jnp.int32)
    weight = xavier_uniform(k4, (NUM_CLASS, FEATURE_DIM))
    centers = xavier_uniform(k5, (NUM_CLASS, FEATURE_DIM))
    return {"soft_x": soft_x, "hard_x": hard_x, "targets": targets, "weight": weight, "centers": centers}


def _cross_entropy(logits, targets):
    # mean-reduced cross entropy, same as F.cross_entropy
    log_z = jax.scipy.special.logsumexp(logits, axis=1)
    tgt_logit = jnp.take_along_axis(logits, targets[:, None], axis=1)[:, 0]
    return jnp.mean(log_z - tgt_logit)


def reference(soft_x, hard_x, targets, weight, centers):
    # F.linear(x, W) == x @ W.T
    soft_pred = soft_x @ weight.T
    hard_pred = hard_x @ weight.T
    loss_cls1 = _cross_entropy(soft_pred, targets)
    loss_cls2 = _cross_entropy(hard_pred, targets)
    # The per-unique-label loop sums 0.5*||x_i - centers[label]||^2 over all i with
    # targets[i]==label; summing over all unique labels is exactly a sum over every
    # sample i of 0.5*||x_i - centers[targets_i]||^2 (for both soft and hard).
    c = jnp.take(centers, targets, axis=0)
    loss_quant = 0.5 * jnp.sum((soft_x - c) ** 2) + 0.5 * jnp.sum((hard_x - c) ** 2)
    loss = loss_cls1 + loss_cls2 + PARAM * loss_quant / soft_x.shape[0]
    return loss

if __name__ == "__main__":
    import jax
    _d = setup_inputs()
    print(jax.jit(kernel)(*tuple(_d.values())))

</pallas_src>

<mosaic_0001>
#map = affine_map<(d0, d1) -> (0, 0)>
#map1 = affine_map<(d0, d1) -> (0)>
module attributes {stable_mosaic.version = 14 : i64} {
  func.func @gather_two(%arg0: i32, %arg1: i32, %arg2: memref<100000x32xbf16, #tpu.memory_space<hbm>>, %arg3: memref<100000x32xbf16, #tpu.memory_space<hbm>>, %arg4: memref<1024xi32, #tpu.memory_space<hbm>>, %arg5: memref<1024x32xbf16, #tpu.memory_space<hbm>>, %arg6: memref<1024x32xbf16, #tpu.memory_space<hbm>>, %arg7: memref<32xi32, #tpu.memory_space<vmem>>, %arg8: memref<32x32xbf16, #tpu.memory_space<vmem>>, %arg9: memref<32x32xbf16, #tpu.memory_space<vmem>>, %arg10: memref<!tpu.dma_semaphore, #tpu.memory_space<semaphore_mem>>, %arg11: memref<!tpu.dma_semaphore, #tpu.memory_space<semaphore_mem>>) attributes {dimension_semantics = [#tpu.dimension_semantics<core_parallel>, #tpu.dimension_semantics<subcore_parallel>], iteration_bounds = array<i64: 2, 16>, scalar_prefetch = 0 : i64, scratch_operands = 5 : i64, tpu.core_type = #tpu.core_type<sc_vector_subcore>, window_params = [{transform_indices = #map}, {transform_indices = #map}, {transform_indices = #map1}, {transform_indices = #map}, {transform_indices = #map}]} {
    %mul3A = arith.constant 2 : i32
    %mul3A_0 = arith.muli %arg1, %mul3A : i32
    %add3A = arith.addi %mul3A_0, %arg0 : i32
    %mul3A_1 = arith.constant 32 : i32
    %mul3A_2 = arith.muli %add3A, %mul3A_1 : i32
    "tpu.region"() ({
      %run_scoped3A = tpu.sem_alloc : memref<!tpu.dma_semaphore, #tpu.memory_space<semaphore_mem>>
      %dma_start3A_13 = tpu.memref_slice %arg4[%mul3A_2] : memref<1024xi32, #tpu.memory_space<hbm>> -> memref<32xi32, #tpu.memory_space<hbm>>
      %dma_start3A_14 = tpu.memref_slice %arg4[%mul3A_2] : memref<1024xi32, #tpu.memory_space<hbm>> -> memref<32xi32, #tpu.memory_space<hbm>>
      tpu.enqueue_dma source(%dma_start3A_14 : memref<32xi32, #tpu.memory_space<hbm>>) target(%arg7 : memref<32xi32, #tpu.memory_space<vmem>>) target_semaphore(%run_scoped3A : memref<!tpu.dma_semaphore, #tpu.memory_space<semaphore_mem>>)
      %dma_wait3A_15 = tpu.memref_slice %arg4[%mul3A_2] : memref<1024xi32, #tpu.memory_space<hbm>> -> memref<32xi32, #tpu.memory_space<hbm>>
      %dma_wait3A_16 = tpu.memref_slice %arg4[%mul3A_2] : memref<1024xi32, #tpu.memory_space<hbm>> -> memref<32xi32, #tpu.memory_space<hbm>>
      tpu.wait_dma2 semaphore(%run_scoped3A : memref<!tpu.dma_semaphore, #tpu.memory_space<semaphore_mem>>) src(%dma_wait3A_16 : memref<32xi32, #tpu.memory_space<hbm>>) dst(%arg7 : memref<32xi32, #tpu.memory_space<vmem>>)
      tpu.yield
    }) : () -> ()
    %dma_start3A = arith.constant 0 : i32
    %dma_start3A_3 = arith.constant 0 : i32
    %dma_start3A_4 = tpu.memref_slice %arg2[%dma_start3A, %dma_start3A_3] : memref<100000x32xbf16, #tpu.memory_space<hbm>> -> memref<100000x32xbf16, #tpu.memory_space<hbm>>
    tpu.enqueue_indirect_dma source(%dma_start3A_4 : memref<100000x32xbf16, #tpu.memory_space<hbm>>) target(%arg8 : memref<32x32xbf16, #tpu.memory_space<vmem>>) offsets(%arg7 : memref<32xi32, #tpu.memory_space<vmem>>) semaphore(%arg10 : memref<!tpu.dma_semaphore, #tpu.memory_space<semaphore_mem>>)
    %dma_start3A_5 = arith.constant 0 : i32
    %dma_start3A_6 = arith.constant 0 : i32
    %dma_start3A_7 = tpu.memref_slice %arg3[%dma_start3A_5, %dma_start3A_6] : memref<100000x32xbf16, #tpu.memory_space<hbm>> -> memref<100000x32xbf16, #tpu.memory_space<hbm>>
    tpu.enqueue_indirect_dma source(%dma_start3A_7 : memref<100000x32xbf16, #tpu.memory_space<hbm>>) target(%arg9 : memref<32x32xbf16, #tpu.memory_space<vmem>>) offsets(%arg7 : memref<32xi32, #tpu.memory_space<vmem>>) semaphore(%arg11 : memref<!tpu.dma_semaphore, #tpu.memory_space<semaphore_mem>>)
    %dma_wait3A = arith.constant 0 : i32
    %dma_wait3A_8 = arith.constant 0 : i32
    %dma_wait3A_9 = tpu.memref_slice %arg2[%dma_wait3A, %dma_wait3A_8] : memref<100000x32xbf16, #tpu.memory_space<hbm>> -> memref<100000x32xbf16, #tpu.memory_space<hbm>>
    tpu.wait_indirect_dma semaphore(%arg10 : memref<!tpu.dma_semaphore, #tpu.memory_space<semaphore_mem>>) src(%dma_wait3A_9 : memref<100000x32xbf16, #tpu.memory_space<hbm>>) dst(%arg8 : memref<32x32xbf16, #tpu.memory_space<vmem>>)
    %dma_wait3A_10 = arith.constant 0 : i32
    %dma_wait3A_11 = arith.constant 0 : i32
    %dma_wait3A_12 = tpu.memref_slice %arg3[%dma_wait3A_10, %dma_wait3A_11] : memref<100000x32xbf16, #tpu.memory_space<hbm>> -> memref<100000x32xbf16, #tpu.memory_space<hbm>>
    tpu.wait_indirect_dma semaphore(%arg11 : memref<!tpu.dma_semaphore, #tpu.memory_space<semaphore_mem>>) src(%dma_wait3A_12 : memref<100000x32xbf16, #tpu.memory_space<hbm>>) dst(%arg9 : memref<32x32xbf16, #tpu.memory_space<vmem>>)
    "tpu.region"() ({
      %run_scoped3A = tpu.sem_alloc : memref<!tpu.dma_semaphore, #tpu.memory_space<semaphore_mem>>
      %dma_start3A_13 = arith.constant 0 : i32
      %dma_start3A_14 = tpu.memref_slice %arg5[%mul3A_2, %dma_start3A_13] : memref<1024x32xbf16, #tpu.memory_space<hbm>> -> memref<32x32xbf16, #tpu.memory_space<hbm>>
      %dma_start3A_15 = arith.constant 0 : i32
      %dma_start3A_16 = tpu.memref_slice %arg5[%mul3A_2, %dma_start3A_15] : memref<1024x32xbf16, #tpu.memory_space<hbm>> -> memref<32x32xbf16, #tpu.memory_space<hbm>>
      tpu.enqueue_dma source(%arg8 : memref<32x32xbf16, #tpu.memory_space<vmem>>) target(%dma_start3A_16 : memref<32x32xbf16, #tpu.memory_space<hbm>>) target_semaphore(%run_scoped3A : memref<!tpu.dma_semaphore, #tpu.memory_space<semaphore_mem>>)
      %dma_wait3A_17 = arith.constant 0 : i32
      %dma_wait3A_18 = tpu.memref_slice %arg5[%mul3A_2, %dma_wait3A_17] : memref<1024x32xbf16, #tpu.memory_space<hbm>> -> memref<32x32xbf16, #tpu.memory_space<hbm>>
      %dma_wait3A_19 = arith.constant 0 : i32
      %dma_wait3A_20 = tpu.memref_slice %arg5[%mul3A_2, %dma_wait3A_19] : memref<1024x32xbf16, #tpu.memory_space<hbm>> -> memref<32x32xbf16, #tpu.memory_space<hbm>>
      tpu.wait_dma2 semaphore(%run_scoped3A : memref<!tpu.dma_semaphore, #tpu.memory_space<semaphore_mem>>) src(%arg8 : memref<32x32xbf16, #tpu.memory_space<vmem>>) dst(%dma_wait3A_20 : memref<32x32xbf16, #tpu.memory_space<hbm>>)
      tpu.yield
    }) : () -> ()
    "tpu.region"() ({
      %run_scoped3A = tpu.sem_alloc : memref<!tpu.dma_semaphore, #tpu.memory_space<semaphore_mem>>
      %dma_start3A_13 = arith.constant 0 : i32
      %dma_start3A_14 = tpu.memref_slice %arg6[%mul3A_2, %dma_start3A_13] : memref<1024x32xbf16, #tpu.memory_space<hbm>> -> memref<32x32xbf16, #tpu.memory_space<hbm>>
      %dma_start3A_15 = arith.constant 0 : i32
      %dma_start3A_16 = tpu.memref_slice %arg6[%mul3A_2, %dma_start3A_15] : memref<1024x32xbf16, #tpu.memory_space<hbm>> -> memref<32x32xbf16, #tpu.memory_space<hbm>>
      tpu.enqueue_dma source(%arg9 : memref<32x32xbf16, #tpu.memory_space<vmem>>) target(%dma_start3A_16 : memref<32x32xbf16, #tpu.memory_space<hbm>>) target_semaphore(%run_scoped3A : memref<!tpu.dma_semaphore, #tpu.memory_space<semaphore_mem>>)
      %dma_wait3A_17 = arith.constant 0 : i32
      %dma_wait3A_18 = tpu.memref_slice %arg6[%mul3A_2, %dma_wait3A_17] : memref<1024x32xbf16, #tpu.memory_space<hbm>> -> memref<32x32xbf16, #tpu.memory_space<hbm>>
      %dma_wait3A_19 = arith.constant 0 : i32
      %dma_wait3A_20 = tpu.memref_slice %arg6[%mul3A_2, %dma_wait3A_19] : memref<1024x32xbf16, #tpu.memory_space<hbm>> -> memref<32x32xbf16, #tpu.memory_space<hbm>>
      tpu.wait_dma2 semaphore(%run_scoped3A : memref<!tpu.dma_semaphore, #tpu.memory_space<semaphore_mem>>) src(%arg9 : memref<32x32xbf16, #tpu.memory_space<vmem>>) dst(%dma_wait3A_20 : memref<32x32xbf16, #tpu.memory_space<hbm>>)
      tpu.yield
    }) : () -> ()
    return
  }
}

module attributes {stable_mosaic.version = 14 : i64} {
  func.func @_lse_body(%arg0: i32, %arg1: memref<2048x32xbf16, #tpu.memory_space<vmem>>, %arg2: memref<32x10240xbf16, #tpu.memory_space<vmem>>, %arg3: memref<2048x1xf32, #tpu.memory_space<vmem>>, %arg4: memref<2048x128xf32, #tpu.memory_space<vmem>>) attributes {dimension_semantics = [#tpu.dimension_semantics<arbitrary>], iteration_bounds = array<i64: 10>, scalar_prefetch = 0 : i64, scratch_operands = 1 : i64, tpu.core_type = #tpu.core_type<tc>, window_params = [{pipeline_mode = #tpu.pipeline_mode<synchronous>, transform_indices = @transform_0, window_bounds = array<i64: 2048, 32>}, {transform_indices = @transform_1, window_bounds = array<i64: 32, 10240>}, {pipeline_mode = #tpu.pipeline_mode<synchronous>, transform_indices = @transform_2, window_bounds = array<i64: 2048, 1>}]} {
    %get3A = arith.constant 0 : index
    %get3A_0 = arith.constant 0 : index
    %get3A_1 = vector.load %arg1[%get3A, %get3A_0] : memref<2048x32xbf16, #tpu.memory_space<vmem>>, vector<2048x32xbf16>
    %get3A_2 = arith.constant 0 : index
    %get3A_3 = arith.constant 0 : index
    %get3A_4 = vector.load %arg2[%get3A_2, %get3A_3] : memref<32x10240xbf16, #tpu.memory_space<vmem>>, vector<32x10240xbf16>
    %eq3A = arith.constant 0 : i32
    %eq3A_5 = arith.cmpi eq, %arg0, %eq3A : i32
    %convert_element_type3A = arith.extui %eq3A_5 : i1 to i32
    %cond3A = arith.constant 0 : i32
    %cond3A_6 = arith.cmpi ne, %convert_element_type3A, %cond3A : i32
    scf.if %cond3A_6 {
      %broadcast_in_dim3A = arith.constant 0.000000e+00 : f32
      %broadcast_in_dim3A_413 = vector.broadcast %broadcast_in_dim3A : f32 to vector<2048x128xf32>
      %swap3A_414 = arith.constant 0 : index
      %swap3A_415 = arith.constant 0 : index
      %swap3A_416 = vector.load %arg4[%swap3A_414, %swap3A_415] : memref<2048x128xf32, #tpu.memory_space<vmem>>, vector<2048x128xf32>
      tpu.vector_store %arg4[%swap3A_414, %swap3A_415], %broadcast_in_dim3A_413 {strides = array<i32>} : memref<2048x128xf32, #tpu.memory_space<vmem>>, vector<2048x128xf32>,
    } else {
    }
    %slice3A = vector.extract_strided_slice %get3A_4 {offsets = [0, 0], sizes = [32, 128], strides = [1, 1]} : vector<32x10240xbf16> to vector<32x128xbf16>
    %dot_general3A = arith.constant dense<0.000000e+00> : vector<2048x128xf32>
    %dot_general3A_7 = tpu.matmul %get3A_1, %slice3A, %dot_general3A {dimension_numbers = #tpu.dot_dimension_numbers<[1], [0], [0], [1], [0, 0, 1, 1], [], []>, transpose_lhs_hint = false} : vector<2048x32xbf16>, vector<32x128xbf16>, vector<2048x128xf32> -> vector<2048x128xf32>
    %exp23A = math.exp2 %dot_general3A_7 : vector<2048x128xf32>
    %slice3A_8 = vector.extract_strided_slice %get3A_4 {offsets = [0, 128], sizes = [32, 128], strides = [1, 1]} : vector<32x10240xbf16> to vector<32x128xbf16>
    %dot_general3A_9 = arith.constant dense<0.000000e+00> : vector<2048x128xf32>
    %dot_general3A_10 = tpu.matmul %get3A_1, %slice3A_8, %dot_general3A_9 {dimension_numbers = #tpu.dot_dimension_numbers<[1], [0], [0], [1], [0, 0, 1, 1], [], []>, transpose_lhs_hint = false} : vector<2048x32xbf16>, vector<32x128xbf16>, vector<2048x128xf32> -> vector<2048x128xf32>
    %exp23A_11 = math.exp2 %dot_general3A_10 : vector<2048x128xf32>
    %add3A = arith.addf %exp23A, %exp23A_11 : vector<2048x128xf32>
    %slice3A_12 = vector.extract_strided_slice %get3A_4 {offsets = [0, 256], sizes = [32, 128], strides = [1, 1]} : vector<32x10240xbf16> to vector<32x128xbf16>
    %dot_general3A_13 = arith.constant dense<0.000000e+00> : vector<2048x128xf32>
    %dot_general3A_14 = tpu.matmul %get3A_1, %slice3A_12, %dot_general3A_13 {dimension_numbers = #tpu.dot_dimension_numbers<[1], [0], [0], [1], [0, 0, 1, 1], [], []>, transpose_lhs_hint = false} : vector<2048x32xbf16>, vector<32x128xbf16>, vector<2048x128xf32> -> vector<2048x128xf32>
    %exp23A_15 = math.exp2 %dot_general3A_14 : vector<2048x128xf32>
    %add3A_16 = arith.addf %add3A, %exp23A_15 : vector<2048x128xf32>
    %slice3A_17 = vector.extract_strided_slice %get3A_4 {offsets = [0, 384], sizes = [32, 128], strides = [1, 1]} : vector<32x10240xbf16> to vector<32x128xbf16>
    %dot_general3A_18 = arith.constant dense<0.000000e+00> : vector<2048x128xf32>
    %dot_general3A_19 = tpu.matmul %get3A_1, %slice3A_17, %dot_general3A_18 {dimension_numbers = #tpu.dot_dimension_numbers<[1], [0], [0], [1], [0, 0, 1, 1], [], []>, transpose_lhs_hint = false} : vector<2048x32xbf16>, vector<32x128xbf16>, vector<2048x128xf32> -> vector<2048x128xf32>
    %exp23A_20 = math.exp2 %dot_general3A_19 : vector<2048x128xf32>
    %add3A_21 = arith.addf %add3A_16, %exp23A_20 : vector<2048x128xf32>
    %slice3A_22 = vector.extract_strided_slice %get3A_4 {offsets = [0, 512], sizes = [32, 128], strides = [1, 1]} : vector<32x10240xbf16> to vector<32x128xbf16>
    %dot_general3A_23 = arith.constant dense<0.000000e+00> : vector<2048x128xf32>
    %dot_general3A_24 = tpu.matmul %get3A_1, %slice3A_22, %dot_general3A_23 {dimension_numbers = #tpu.dot_dimension_numbers<[1], [0], [0], [1], [0, 0, 1, 1], [], []>, transpose_lhs_hint = false} : vector<2048x32xbf16>, vector<32x128xbf16>, vector<2048x128xf32> -> vector<2048x128xf32>
    %exp23A_25 = math.exp2 %dot_general3A_24 : vector<2048x128xf32>
    %add3A_26 = arith.addf %add3A_21, %exp23A_25 : vector<2048x128xf32>
    %slice3A_27 = vector.extract_strided_slice %get3A_4 {offsets = [0, 640], sizes = [32, 128], strides = [1, 1]} : vector<32x10240xbf16> to vector<32x128xbf16>
    %dot_general3A_28 = arith.constant dense<0.000000e+00> : vector<2048x128xf32>
    %dot_general3A_29 = tpu.matmul %get3A_1, %slice3A_27, %dot_general3A_28 {dimension_numbers = #tpu.dot_dimension_numbers<[1], [0], [0], [1], [0, 0, 1, 1], [], []>, transpose_lhs_hint = false} : vector<2048x32xbf16>, vector<32x128xbf16>, vector<2048x128xf32> -> vector<2048x128xf32>
    %exp23A_30 = math.exp2 %dot_general3A_29 : vector<2048x128xf32>
    %add3A_31 = arith.addf %add3A_26, %exp23A_30 : vector<2048x128xf32>
    %slice3A_32 = vector.extract_strided_slice %get3A_4 {offsets = [0, 768], sizes = [32, 128], strides = [1, 1]} : vector<32x10240xbf16> to vector<32x128xbf16>
    %dot_general3A_33 = arith.constant dense<0.000000e+00> : vector<2048x128xf32>
    %dot_general3A_34 = tpu.matmul %get3A_1, %slice3A_32, %dot_general3A_33 {dimension_numbers = #tpu.dot_dimension_numbers<[1], [0], [0], [1], [0, 0, 1, 1], [], []>, transpose_lhs_hint = false} : vector<2048x32xbf16>, vector<32x128xbf16>, vector<2048x128xf32> -> vector<2048x128xf32>
    %exp23A_35 = math.exp2 %dot_general3A_34 : vector<2048x128xf32>
    %add3A_36 = arith.addf %add3A_31, %exp23A_35 : vector<2048x128xf32>
    %slice3A_37 = vector.extract_strided_slice %get3A_4 {offsets = [0, 896], sizes = [32, 128], strides = [1, 1]} : vector<32x10240xbf16> to vector<32x128xbf16>
    %dot_general3A_38 = arith.constant dense<0.000000e+00> : vector<2048x128xf32>
    %dot_general3A_39 = tpu.matmul %get3A_1, %slice3A_37, %dot_general3A_38 {dimension_numbers = #tpu.dot_dimension_numbers<[1], [0], [0], [1], [0, 0, 1, 1], [], []>, transpose_lhs_hint = false} : vector<2048x32xbf16>, vector<32x128xbf16>, vector<2048x128xf32> -> vector<2048x128xf32>
    %exp23A_40 = math.exp2 %dot_general3A_39 : vector<2048x128xf32>
    %add3A_41 = arith.addf %add3A_36, %exp23A_40 : vector<2048x128xf32>
    %slice3A_42 = vector.extract_strided_slice %get3A_4 {offsets = [0, 1024], sizes = [32, 128], strides = [1, 1]} : vector<32x10240xbf16> to vector<32x128xbf16>
    %dot_general3A_43 = arith.constant dense<0.000000e+00> : vector<2048x128xf32>
    %dot_general3A_44 = tpu.matmul %get3A_1, %slice3A_42, %dot_general3A_43 {dimension_numbers = #tpu.dot_dimension_numbers<[1], [0], [0], [1], [0, 0, 1, 1], [], []>, transpose_lhs_hint = false} : vector<2048x32xbf16>, vector<32x128xbf16>, vector<2048x128xf32> -> vector<2048x128xf32>
    %exp23A_45 = math.exp2 %dot_general3A_44 : vector<2048x128xf32>
    %add3A_46 = arith.addf %add3A_41, %exp23A_45 : vector<2048x128xf32>
    %slice3A_47 = vector.extract_strided_slice %get3A_4 {offsets = [0, 1152], sizes = [32, 128], strides = [1, 1]} : vector<32x10240xbf16> to vector<32x128xbf16>
    %dot_general3A_48 = arith.constant dense<0.000000e+00> : vector<2048x128xf32>
    %dot_general3A_49 = tpu.matmul %get3A_1, %slice3A_47, %dot_general3A_48 {dimension_numbers = #tpu.dot_dimension_numbers<[1], [0], [0], [1], [0, 0, 1, 1], [], []>, transpose_lhs_hint = false} : vector<2048x32xbf16>, vector<32x128xbf16>, vector<2048x128xf32> -> vector<2048x128xf32>
    %exp23A_50 = math.exp2 %dot_general3A_49 : vector<2048x128xf32>
    %add3A_51 = arith.addf %add3A_46, %exp23A_50 : vector<2048x128xf32>
    %slice3A_52 = vector.extract_strided_slice %get3A_4 {offsets = [0, 1280], sizes = [32, 128], strides = [1, 1]} : vector<32x10240xbf16> to vector<32x128xbf16>
    %dot_general3A_53 = arith.constant dense<0.000000e+00> : vector<2048x128xf32>
    %dot_general3A_54 = tpu.matmul %get3A_1, %slice3A_52, %dot_general3A_53 {dimension_numbers = #tpu.dot_dimension_numbers<[1], [0], [0], [1], [0, 0, 1, 1], [], []>, transpose_lhs_hint = false} : vector<2048x32xbf16>, vector<32x128xbf16>, vector<2048x128xf32> -> vector<2048x128xf32>
    %exp23A_55 = math.exp2 %dot_general3A_54 : vector<2048x128xf32>
    %add3A_56 = arith.addf %add3A_51, %exp23A_55 : vector<2048x128xf32>
    %slice3A_57 = vector.extract_strided_slice %get3A_4 {offsets = [0, 1408], sizes = [32, 128], strides = [1, 1]} : vector<32x10240xbf16> to vector<32x128xbf16>
    %dot_general3A_58 = arith.constant dense<0.000000e+00> : vector<2048x128xf32>
    %dot_general3A_59 = tpu.matmul %get3A_1, %slice3A_57, %dot_general3A_58 {dimension_numbers = #tpu.dot_dimension_numbers<[1], [0], [0], [1], [0, 0, 1, 1], [], []>, transpose_lhs_hint = false} : vector<2048x32xbf16>, vector<32x128xbf16>, vector<2048x128xf32> -> vector<2048x128xf32>
    %exp23A_60 = math.exp2 %dot_general3A_59 : vector<2048x128xf32>
    %add3A_61 = arith.addf %add3A_56, %exp23A_60 : vector<2048x128xf32>
    %slice3A_62 = vector.extract_strided_slice %get3A_4 {offsets = [0, 1536], sizes = [32, 128], strides = [1, 1]} : vector<32x10240xbf16> to vector<32x128xbf16>
    %dot_general3A_63 = arith.constant dense<0.000000e+00> : vector<2048x128xf32>
    %dot_general3A_64 = tpu.matmul %get3A_1, %slice3A_62, %dot_general3A_63 {dimension_numbers = #tpu.dot_dimension_numbers<[1], [0], [0], [1], [0, 0, 1, 1], [], []>, transpose_lhs_hint = false} : vector<2048x32xbf16>, vector<32x128xbf16>, vector<2048x128xf32> -> vector<2048x128xf32>
    %exp23A_65 = math.exp2 %dot_general3A_64 : vector<2048x128xf32>
    %add3A_66 = arith.addf %add3A_61, %exp23A_65 : vector<2048x128xf32>
    %slice3A_67 = vector.extract_strided_slice %get3A_4 {offsets = [0, 1664], sizes = [32, 128], strides = [1, 1]} : vector<32x10240xbf16> to vector<32x128xbf16>
    %dot_general3A_68 = arith.constant dense<0.000000e+00> : vector<2048x128xf32>
    %dot_general3A_69 = tpu.matmul %get3A_1, %slice3A_67, %dot_general3A_68 {dimension_numbers = #tpu.dot_dimension_numbers<[1], [0], [0], [1], [0, 0, 1, 1], [], []>, transpose_lhs_hint = false} : vector<2048x32xbf16>, vector<32x128xbf16>, vector<2048x128xf32> -> vector<2048x128xf32>
    %exp23A_70 = math.exp2 %dot_general3A_69 : vector<2048x128xf32>
    %add3A_71 = arith.addf %add3A_66, %exp23A_70 : vector<2048x128xf32>
    %slice3A_72 = vector.extract_strided_slice %get3A_4 {offsets = [0, 1792], sizes = [32, 128], strides = [1, 1]} : vector<32x10240xbf16> to vector<32x128xbf16>
    %dot_general3A_73 = arith.constant dense<0.000000e+00> : vector<2048x128xf32>
    %dot_general3A_74 = tpu.matmul %get3A_1, %slice3A_72, %dot_general3A_73 {dimension_numbers = #tpu.dot_dimension_numbers<[1], [0], [0], [1], [0, 0, 1, 1], [], []>, transpose_lhs_hint = false} : vector<2048x32xbf16>, vector<32x128xbf16>, vector<2048x128xf32> -> vector<2048x128xf32>
    %exp23A_75 = math.exp2 %dot_general3A_74 : vector<2048x128xf32>
    %add3A_76 = arith.addf %add3A_71, %exp23A_75 : vector<2048x128xf32>
    %slice3A_77 = vector.extract_strided_slice %get3A_4 {offsets = [0, 1920], sizes = [32, 128], strides = [1, 1]} : vector<32x10240xbf16> to vector<32x128xbf16>
    %dot_general3A_78 = arith.constant dense<0.000000e+00> : vector<2048x128xf32>
    %dot_general3A_79 = tpu.matmul %get3A_1, %slice3A_77, %dot_general3A_78 {dimension_numbers = #tpu.dot_dimension_numbers<[1], [0], [0], [1], [0, 0, 1, 1], [], []>, transpose_lhs_hint = false} : vector<2048x32xbf16>, vector<32x128xbf16>, vector<2048x128xf32> -> vector<2048x128xf32>
    %exp23A_80 = math.exp2 %dot_general3A_79 : vector<2048x128xf32>
    %add3A_81 = arith.addf %add3A_76, %exp23A_80 : vector<2048x128xf32>
    %slice3A_82 = vector.extract_strided_slice %get3A_4 {offsets = [0, 2048], sizes = [32, 128], strides = [1, 1]} : vector<32x10240xbf16> to vector<32x128xbf16>
    %dot_general3A_83 = arith.constant dense<0.000000e+00> : vector<2048x128xf32>
    %dot_general3A_84 = tpu.matmul %get3A_1, %slice3A_82, %dot_general3A_83 {dimension_numbers = #tpu.dot_dimension_numbers<[1], [0], [0], [1], [0, 0, 1, 1], [], []>, transpose_lhs_hint = false} : vector<2048x32xbf16>, vector<32x128xbf16>, vector<2048x128xf32> -> vector<2048x128xf32>
    %exp23A_85 = math.exp2 %dot_general3A_84 : vector<2048x128xf32>
    %add3A_86 = arith.addf %add3A_81, %exp23A_85 : vector<2048x128xf32>
    %slice3A_87 = vector.extract_strided_slice %get3A_4 {offsets = [0, 2176], sizes = [32, 128], strides = [1, 1]} : vector<32x10240xbf16> to vector<32x128xbf16>
    %dot_general3A_88 = arith.constant dense<0.000000e+00> : vector<2048x128xf32>
    %dot_general3A_89 = tpu.matmul %get3A_1, %slice3A_87, %dot_general3A_88 {dimension_numbers = #tpu.dot_dimension_numbers<[1], [0], [0], [1], [0, 0, 1, 1], [], []>, transpose_lhs_hint = false} : vector<2048x32xbf16>, vector<32x128xbf16>, vector<2048x128xf32> -> vector<2048x128xf32>
    %exp23A_90 = math.exp2 %dot_general3A_89 : vector<2048x128xf32>
    %add3A_91 = arith.addf %add3A_86, %exp23A_90 : vector<2048x128xf32>
    %slice3A_92 = vector.extract_strided_slice %get3A_4 {offsets = [0, 2304], sizes = [32, 128], strides = [1, 1]} : vector<32x10240xbf16> to vector<32x128xbf16>
    %dot_general3A_93 = arith.constant dense<0.000000e+00> : vector<2048x128xf32>
    %dot_general3A_94 = tpu.matmul %get3A_1, %slice3A_92, %dot_general3A_93 {dimension_numbers = #tpu.dot_dimension_numbers<[1], [0], [0], [1], [0, 0, 1, 1], [], []>, transpose_lhs_hint = false} : vector<2048x32xbf16>, vector<32x128xbf16>, vector<2048x128xf32> -> vector<2048x128xf32>
    %exp23A_95 = math.exp2 %dot_general3A_94 : vector<2048x128xf32>
    %add3A_96 = arith.addf %add3A_91, %exp23A_95 : vector<2048x128xf32>
    %slice3A_97 = vector.extract_strided_slice %get3A_4 {offsets = [0, 2432], sizes = [32, 128], strides = [1, 1]} : vector<32x10240xbf16> to vector<32x128xbf16>
    %dot_general3A_98 = arith.constant dense<0.000000e+00> : vector<2048x128xf32>
    %dot_general3A_99 = tpu.matmul %get3A_1, %slice3A_97, %dot_general3A_98 {dimension_numbers = #tpu.dot_dimension_numbers<[1], [0], [0], [1], [0, 0, 1, 1], [], []>, transpose_lhs_hint = false} : vector<2048x32xbf16>, vector<32x128xbf16>, vector<2048x128xf32> -> vector<2048x128xf32>
    %exp23A_100 = math.exp2 %dot_general3A_99 : vector<2048x128xf32>
    %add3A_101 = arith.addf %add3A_96, %exp23A_100 : vector<2048x128xf32>
    %slice3A_102 = vector.extract_strided_slice %get3A_4 {offsets = [0, 2560], sizes = [32, 128], strides = [1, 1]} : vector<32x10240xbf16> to vector<32x128xbf16>
    %dot_general3A_103 = arith.constant dense<0.000000e+00> : vector<2048x128xf32>
    %dot_general3A_104 = tpu.matmul %get3A_1, %slice3A_102, %dot_general3A_103 {dimension_numbers = #tpu.dot_dimension_numbers<[1], [0], [0], [1], [0, 0, 1, 1], [], []>, transpose_lhs_hint = false} : vector<2048x32xbf16>, vector<32x128xbf16>, vector<2048x128xf32> -> vector<2048x128xf32>
    %exp23A_105 = math.exp2 %dot_general3A_104 : vector<2048x128xf32>
    %add3A_106 = arith.addf %add3A_101, %exp23A_105 : vector<2048x128xf32>
    %slice3A_107 = vector.extract_strided_slice %get3A_4 {offsets = [0, 2688], sizes = [32, 128], strides = [1, 1]} : vector<32x10240xbf16> to vector<32x128xbf16>
    %dot_general3A_108 = arith.constant dense<0.000000e+00> : vector<2048x128xf32>
    %dot_general3A_109 = tpu.matmul %get3A_1, %slice3A_107, %dot_general3A_108 {dimension_numbers = #tpu.dot_dimension_numbers<[1], [0], [0], [1], [0, 0, 1, 1], [], []>, transpose_lhs_hint = false} : vector<2048x32xbf16>, vector<32x128xbf16>, vector<2048x128xf32> -> vector<2048x128xf32>
    %exp23A_110 = math.exp2 %dot_general3A_109 : vector<2048x128xf32>
    %add3A_111 = arith.addf %add3A_106, %exp23A_110 : vector<2048x128xf32>
    %slice3A_112 = vector.extract_strided_slice %get3A_4 {offsets = [0, 2816], sizes = [32, 128], strides = [1, 1]} : vector<32x10240xbf16> to vector<32x128xbf16>
    %dot_general3A_113 = arith.constant dense<0.000000e+00> : vector<2048x128xf32>
    %dot_general3A_114 = tpu.matmul %get3A_1, %slice3A_112, %dot_general3A_113 {dimension_numbers = #tpu.dot_dimension_numbers<[1], [0], [0], [1], [0, 0, 1, 1], [], []>, transpose_lhs_hint = false} : vector<2048x32xbf16>, vector<32x128xbf16>, vector<2048x128xf32> -> vector<2048x128xf32>
    %exp23A_115 = math.exp2 %dot_general3A_114 : vector<2048x128xf32>
    %add3A_116 = arith.addf %add3A_111, %exp23A_115 : vector<2048x128xf32>
    %slice3A_117 = vector.extract_strided_slice %get3A_4 {offsets = [0, 2944], sizes = [32, 128], strides = [1, 1]} : vector<32x10240xbf16> to vector<32x128xbf16>
    %dot_general3A_118 = arith.constant dense<0.000000e+00> : vector<2048x128xf32>
    %dot_general3A_119 = tpu.matmul %get3A_1, %slice3A_117, %dot_general3A_118 {dimension_numbers = #tpu.dot_dimension_numbers<[1], [0], [0], [1], [0, 0, 1, 1], [], []>, transpose_lhs_hint = false} : vector<2048x32xbf16>, vector<32x128xbf16>, vector<2048x128xf32> -> vector<2048x128xf32>
    %exp23A_120 = math.exp2 %dot_general3A_119 : vector<2048x128xf32>
    %add3A_121 = arith.addf %add3A_116, %exp23A_120 : vector<2048x128xf32>
    %slice3A_122 = vector.extract_strided_slice %get3A_4 {offsets = [0, 3072], sizes = [32, 128], strides = [1, 1]} : vector<32x10240xbf16> to vector<32x128xbf16>
    %dot_general3A_123 = arith.constant dense<0.000000e+00> : vector<2048x128xf32>
    %dot_general3A_124 = tpu.matmul %get3A_1, %slice3A_122, %dot_general3A_123 {dimension_numbers = #tpu.dot_dimension_numbers<[1], [0], [0], [1], [0, 0, 1, 1], [], []>, transpose_lhs_hint = false} : vector<2048x32xbf16>, vector<32x128xbf16>, vector<2048x128xf32> -> vector<2048x128xf32>
    %exp23A_125 = math.exp2 %dot_general3A_124 : vector<2048x128xf32>
    %add3A_126 = arith.addf %add3A_121, %exp23A_125 : vector<2048x128xf32>
    %slice3A_127 = vector.extract_strided_slice %get3A_4 {offsets = [0, 3200], sizes = [32, 128], strides = [1, 1]} : vector<32x10240xbf16> to vector<32x128xbf16>
    %dot_general3A_128 = arith.constant dense<0.000000e+00> : vector<2048x128xf32>
    %dot_general3A_129 = tpu.matmul %get3A_1, %slice3A_127, %dot_general3A_128 {dimension_numbers = #tpu.dot_dimension_numbers<[1], [0], [0], [1], [0, 0, 1, 1], [], []>, transpose_lhs_hint = false} : vector<2048x32xbf16>, vector<32x128xbf16>, vector<2048x128xf32> -> vector<2048x128xf32>
    %exp23A_130 = math.exp2 %dot_general3A_129 : vector<2048x128xf32>
    %add3A_131 = arith.addf %add3A_126, %exp23A_130 : vector<2048x128xf32>
    %slice3A_132 = vector.extract_strided_slice %get3A_4 {offsets = [0, 3328], sizes = [32, 128], strides = [1, 1]} : vector<32x10240xbf16> to vector<32x128xbf16>
    %dot_general3A_133 = arith.constant dense<0.000000e+00> : vector<2048x128xf32>
    %dot_general3A_134 = tpu.matmul %get3A_1, %slice3A_132, %dot_general3A_133 {dimension_numbers = #tpu.dot_dimension_numbers<[1], [0], [0], [1], [0, 0, 1, 1], [], []>, transpose_lhs_hint = false} : vector<2048x32xbf16>, vector<32x128xbf16>, vector<2048x128xf32> -> vector<2048x128xf32>
    %exp23A_135 = math.exp2 %dot_general3A_134 : vector<2048x128xf32>
    %add3A_136 = arith.addf %add3A_131, %exp23A_135 : vector<2048x128xf32>
    %slice3A_137 = vector.extract_strided_slice %get3A_4 {offsets = [0, 3456], sizes = [32, 128], strides = [1, 1]} : vector<32x10240xbf16> to vector<32x128xbf16>
    %dot_general3A_138 = arith.constant dense<0.000000e+00> : vector<2048x128xf32>
    %dot_general3A_139 = tpu.matmul %get3A_1, %slice3A_137, %dot_general3A_138 {dimension_numbers = #tpu.dot_dimension_numbers<[1], [0], [0], [1], [0, 0, 1, 1], [], []>, transpose_lhs_hint = false} : vector<2048x32xbf16>, vector<32x128xbf16>, vector<2048x128xf32> -> vector<2048x128xf32>
    %exp23A_140 = math.exp2 %dot_general3A_139 : vector<2048x128xf32>
    %add3A_141 = arith.addf %add3A_136, %exp23A_140 : vector<2048x128xf32>
    %slice3A_142 = vector.extract_strided_slice %get3A_4 {offsets = [0, 3584], sizes = [32, 128], strides = [1, 1]} : vector<32x10240xbf16> to vector<32x128xbf16>
    %dot_general3A_143 = arith.constant dense<0.000000e+00> : vector<2048x128xf32>
    %dot_general3A_144 = tpu.matmul %get3A_1, %slice3A_142, %dot_general3A_143 {dimension_numbers = #tpu.dot_dimension_numbers<[1], [0], [0], [1], [0, 0, 1, 1], [], []>, transpose_lhs_hint = false} : vector<2048x32xbf16>, vector<32x128xbf16>, vector<2048x128xf32> -> vector<2048x128xf32>
    %exp23A_145 = math.exp2 %dot_general3A_144 : vector<2048x128xf32>
    %add3A_146 = arith.addf %add3A_141, %exp23A_145 : vector<2048x128xf32>
    %slice3A_147 = vector.extract_strided_slice %get3A_4 {offsets = [0, 3712], sizes = [32, 128], strides = [1, 1]} : vector<32x10240xbf16> to vector<32x128xbf16>
    %dot_general3A_148 = arith.constant dense<0.000000e+00> : vector<2048x128xf32>
    %dot_general3A_149 = tpu.matmul %get3A_1, %slice3A_147, %dot_general3A_148 {dimension_numbers = #tpu.dot_dimension_numbers<[1], [0], [0], [1], [0, 0, 1, 1], [], []>, transpose_lhs_hint = false} : vector<2048x32xbf16>, vector<32x128xbf16>, vector<2048x128xf32> -> vector<2048x128xf32>
    %exp23A_150 = math.exp2 %dot_general3A_149 : vector<2048x128xf32>
    %add3A_151 = arith.addf %add3A_146, %exp23A_150 : vector<2048x128xf32>
    %slice3A_152 = vector.extract_strided_slice %get3A_4 {offsets = [0, 3840], sizes = [32, 128], strides = [1, 1]} : vector<32x10240xbf16> to vector<32x128xbf16>
    %dot_general3A_153 = arith.constant dense<0.000000e+00> : vector<2048x128xf32>
    %dot_general3A_154 = tpu.matmul %get3A_1, %slice3A_152, %dot_general3A_153 {dimension_numbers = #tpu.dot_dimension_numbers<[1], [0], [0], [1], [0, 0, 1, 1], [], []>, transpose_lhs_hint = false} : vector<2048x32xbf16>, vector<32x128xbf16>, vector<2048x128xf32> -> vector<2048x128xf32>
    %exp23A_155 = math.exp2 %dot_general3A_154 : vector<2048x128xf32>
    %add3A_156 = arith.addf %add3A_151, %exp23A_155 : vector<2048x128xf32>
    %slice3A_157 = vector.extract_strided_slice %get3A_4 {offsets = [0, 3968], sizes = [32, 128], strides = [1, 1]} : vector<32x10240xbf16> to vector<32x128xbf16>
    %dot_general3A_158 = arith.constant dense<0.000000e+00> : vector<2048x128xf32>
    %dot_general3A_159 = tpu.matmul %get3A_1, %slice3A_157, %dot_general3A_158 {dimension_numbers = #tpu.dot_dimension_numbers<[1], [0], [0], [1], [0, 0, 1, 1], [], []>, transpose_lhs_hint = false} : vector<2048x32xbf16>, vector<32x128xbf16>, vector<2048x128xf32> -> vector<2048x128xf32>
    %exp23A_160 = math.exp2 %dot_general3A_159 : vector<2048x128xf32>
    %add3A_161 = arith.addf %add3A_156, %exp23A_160 : vector<2048x128xf32>
    %slice3A_162 = vector.extract_strided_slice %get3A_4 {offsets = [0, 4096], sizes = [32, 128], strides = [1, 1]} : vector<32x10240xbf16> to vector<32x128xbf16>
    %dot_general3A_163 = arith.constant dense<0.000000e+00> : vector<2048x128xf32>
    %dot_general3A_164 = tpu.matmul %get3A_1, %slice3A_162, %dot_general3A_163 {dimension_numbers = #tpu.dot_dimension_numbers<[1], [0], [0], [1], [0, 0, 1, 1], [], []>, transpose_lhs_hint = false} : vector<2048x32xbf16>, vector<32x128xbf16>, vector<2048x128xf32> -> vector<2048x128xf32>
    %exp23A_165 = math.exp2 %dot_general3A_164 : vector<2048x128xf32>
    %add3A_166 = arith.addf %add3A_161, %exp23A_165 : vector<2048x128xf32>
    %slice3A_167 = vector.extract_strided_slice %get3A_4 {offsets = [0, 4224], sizes = [32, 128], strides = [1, 1]} : vector<32x10240xbf16> to vector<32x128xbf16>
    %dot_general3A_168 = arith.constant dense<0.000000e+00> : vector<2048x128xf32>
    %dot_general3A_169 = tpu.matmul %get3A_1, %slice3A_167, %dot_general3A_168 {dimension_numbers = #tpu.dot_dimension_numbers<[1], [0], [0], [1], [0, 0, 1, 1], [], []>, transpose_lhs_hint = false} : vector<2048x32xbf16>, vector<32x128xbf16>, vector<2048x128xf32> -> vector<2048x128xf32>
    %exp23A_170 = math.exp2 %dot_general3A_169 : vector<2048x128xf32>
    %add3A_171 = arith.addf %add3A_166, %exp23A_170 : vector<2048x128xf32>
    %slice3A_172 = vector.extract_strided_slice %get3A_4 {offsets = [0, 4352], sizes = [32, 128], strides = [1, 1]} : vector<32x10240xbf16> to vector<32x128xbf16>
    %dot_general3A_173 = arith.constant dense<0.000000e+00> : vector<2048x128xf32>
    %dot_general3A_174 = tpu.matmul %get3A_1, %slice3A_172, %dot_general3A_173 {dimension_numbers = #tpu.dot_dimension_numbers<[1], [0], [0], [1], [0, 0, 1, 1], [], []>, transpose_lhs_hint = false} : vector<2048x32xbf16>, vector<32x128xbf16>, vector<2048x128xf32> -> vector<2048x128xf32>
    %exp23A_175 = math.exp2 %dot_general3A_174 : vector<2048x128xf32>
    %add3A_176 = arith.addf %add3A_171, %exp23A_175 : vector<2048x128xf32>
    %slice3A_177 = vector.extract_strided_slice %get3A_4 {offsets = [0, 4480], sizes = [32, 128], strides = [1, 1]} : vector<32x10240xbf16> to vector<32x128xbf16>
    %dot_general3A_178 = arith.constant dense<0.000000e+00> : vector<2048x128xf32>
    %dot_general3A_179 = tpu.matmul %get3A_1, %slice3A_177, %dot_general3A_178 {dimension_numbers = #tpu.dot_dimension_numbers<[1], [0], [0], [1], [0, 0, 1, 1], [], []>, transpose_lhs_hint = false} : vector<2048x32xbf16>, vector<32x128xbf16>, vector<2048x128xf32> -> vector<2048x128xf32>
    %exp23A_180 = math.exp2 %dot_general3A_179 : vector<2048x128xf32>
    %add3A_181 = arith.addf %add3A_176, %exp23A_180 : vector<2048x128xf32>
    %slice3A_182 = vector.extract_strided_slice %get3A_4 {offsets = [0, 4608], sizes = [32, 128], strides = [1, 1]} : vector<32x10240xbf16> to vector<32x128xbf16>
    %dot_general3A_183 = arith.constant dense<0.000000e+00> : vector<2048x128xf32>
    %dot_general3A_184 = tpu.matmul %get3A_1, %slice3A_182, %dot_general3A_183 {dimension_numbers = #tpu.dot_dimension_numbers<[1], [0], [0], [1], [0, 0, 1, 1], [], []>, transpose_lhs_hint = false} : vector<2048x32xbf16>, vector<32x128xbf16>, vector<2048x128xf32> -> vector<2048x128xf32>
    %exp23A_185 = math.exp2 %dot_general3A_184 : vector<2048x128xf32>
    %add3A_186 = arith.addf %add3A_181, %exp23A_185 : vector<2048x128xf32>
    %slice3A_187 = vector.extract_strided_slice %get3A_4 {offsets = [0, 4736], sizes = [32, 128], strides = [1, 1]} : vector<32x10240xbf16> to vector<32x128xbf16>
    %dot_general3A_188 = arith.constant dense<0.000000e+00> : vector<2048x128xf32>
    %dot_general3A_189 = tpu.matmul %get3A_1, %slice3A_187, %dot_general3A_188 {dimension_numbers = #tpu.dot_dimension_numbers<[1], [0], [0], [1], [0, 0, 1, 1], [], []>, transpose_lhs_hint = false} : vector<2048x32xbf16>, vector<32x128xbf16>, vector<2048x128xf32> -> vector<2048x128xf32>
    %exp23A_190 = math.exp2 %dot_general3A_189 : vector<2048x128xf32>
    %add3A_191 = arith.addf %add3A_186, %exp23A_190 : vector<2048x128xf32>
    %slice3A_192 = vector.extract_strided_slice %get3A_4 {offsets = [0, 4864], sizes = [32, 128], strides = [1, 1]} : vector<32x10240xbf16> to vector<32x128xbf16>
    %dot_general3A_193 = arith.constant dense<0.000000e+00> : vector<2048x128xf32>
    %dot_general3A_194 = tpu.matmul %get3A_1, %slice3A_192, %dot_general3A_193 {dimension_numbers = #tpu.dot_dimension_numbers<[1], [0], [0], [1], [0, 0, 1, 1], [], []>, transpose_lhs_hint = false} : vector<2048x32xbf16>, vector<32x128xbf16>, vector<2048x128xf32> -> vector<2048x128xf32>
    %exp23A_195 = math.exp2 %dot_general3A_194 : vector<2048x128xf32>
    %add3A_196 = arith.addf %add3A_191, %exp23A_195 : vector<2048x128xf32>
    %slice3A_197 = vector.extract_strided_slice %get3A_4 {offsets = [0, 4992], sizes = [32, 128], strides = [1, 1]} : vector<32x10240xbf16> to vector<32x128xbf16>
    %dot_general3A_198 = arith.constant dense<0.000000e+00> : vector<2048x128xf32>
    %dot_general3A_199 = tpu.matmul %get3A_1, %slice3A_197, %dot_general3A_198 {dimension_numbers = #tpu.dot_dimension_numbers<[1], [0], [0], [1], [0, 0, 1, 1], [], []>, transpose_lhs_hint = false} : vector<2048x32xbf16>, vector<32x128xbf16>, vector<2048x128xf32> -> vector<2048x128xf32>
    %exp23A_200 = math.exp2 %dot_general3A_199 : vector<2048x128xf32>
    %add3A_201 = arith.addf %add3A_196, %exp23A_200 : vector<2048x128xf32>
    %slice3A_202 = vector.extract_strided_slice %get3A_4 {offsets = [0, 5120], sizes = [32, 128], strides = [1, 1]} : vector<32x10240xbf16> to vector<32x128xbf16>
    %dot_general3A_203 = arith.constant dense<0.000000e+00> : vector<2048x128xf32>
    %dot_general3A_204 = tpu.matmul %get3A_1, %slice3A_202, %dot_general3A_203 {dimension_numbers = #tpu.dot_dimension_numbers<[1], [0], [0], [1], [0, 0, 1, 1], [], []>, transpose_lhs_hint = false} : vector<2048x32xbf16>, vector<32x128xbf16>, vector<2048x128xf32> -> vector<2048x128xf32>
    %exp23A_205 = math.exp2 %dot_general3A_204 : vector<2048x128xf32>
    %add3A_206 = arith.addf %add3A_201, %exp23A_205 : vector<2048x128xf32>
    %slice3A_207 = vector.extract_strided_slice %get3A_4 {offsets = [0, 5248], sizes = [32, 128], strides = [1, 1]} : vector<32x10240xbf16> to vector<32x128xbf16>
    %dot_general3A_208 = arith.constant dense<0.000000e+00> : vector<2048x128xf32>
    %dot_general3A_209 = tpu.matmul %get3A_1, %slice3A_207, %dot_general3A_208 {dimension_numbers = #tpu.dot_dimension_numbers<[1], [0], [0], [1], [0, 0, 1, 1], [], []>, transpose_lhs_hint = false} : vector<2048x32xbf16>, vector<32x128xbf16>, vector<2048x128xf32> -> vector<2048x128xf32>
    %exp23A_210 = math.exp2 %dot_general3A_209 : vector<2048x128xf32>
    %add3A_211 = arith.addf %add3A_206, %exp23A_210 : vector<2048x128xf32>
    %slice3A_212 = vector.extract_strided_slice %get3A_4 {offsets = [0, 5376], sizes = [32, 128], strides = [1, 1]} : vector<32x10240xbf16> to vector<32x128xbf16>
    %dot_general3A_213 = arith.constant dense<0.000000e+00> : vector<2048x128xf32>
    %dot_general3A_214 = tpu.matmul %get3A_1, %slice3A_212, %dot_general3A_213 {dimension_numbers = #tpu.dot_dimension_numbers<[1], [0], [0], [1], [0, 0, 1, 1], [], []>, transpose_lhs_hint = false} : vector<2048x32xbf16>, vector<32x128xbf16>, vector<2048x128xf32> -> vector<2048x128xf32>
    %exp23A_215 = math.exp2 %dot_general3A_214 : vector<2048x128xf32>
    %add3A_216 = arith.addf %add3A_211, %exp23A_215 : vector<2048x128xf32>
    %slice3A_217 = vector.extract_strided_slice %get3A_4 {offsets = [0, 5504], sizes = [32, 128], strides = [1, 1]} : vector<32x10240xbf16> to vector<32x128xbf16>
    %dot_general3A_218 = arith.constant dense<0.000000e+00> : vector<2048x128xf32>
    %dot_general3A_219 = tpu.matmul %get3A_1, %slice3A_217, %dot_general3A_218 {dimension_numbers = #tpu.dot_dimension_numbers<[1], [0], [0], [1], [0, 0, 1, 1], [], []>, transpose_lhs_hint = false} : vector<2048x32xbf16>, vector<32x128xbf16>, vector<2048x128xf32> -> vector<2048x128xf32>
    %exp23A_220 = math.exp2 %dot_general3A_219 : vector<2048x128xf32>
    %add3A_221 = arith.addf %add3A_216, %exp23A_220 : vector<2048x128xf32>
    %slice3A_222 = vector.extract_strided_slice %get3A_4 {offsets = [0, 5632], sizes = [32, 128], strides = [1, 1]} : vector<32x10240xbf16> to vector<32x128xbf16>
    %dot_general3A_223 = arith.constant dense<0.000000e+00> : vector<2048x128xf32>
    %dot_general3A_224 = tpu.matmul %get3A_1, %slice3A_222, %dot_general3A_223 {dimension_numbers = #tpu.dot_dimension_numbers<[1], [0], [0], [1], [0, 0, 1, 1], [], []>, transpose_lhs_hint = false} : vector<2048x32xbf16>, vector<32x128xbf16>, vector<2048x128xf32> -> vector<2048x128xf32>
    %exp23A_225 = math.exp2 %dot_general3A_224 : vector<2048x128xf32>
    %add3A_226 = arith.addf %add3A_221, %exp23A_225 : vector<2048x128xf32>
    %slice3A_227 = vector.extract_strided_slice %get3A_4 {offsets = [0, 5760], sizes = [32, 128], strides = [1, 1]} : vector<32x10240xbf16> to vector<32x128xbf16>
    %dot_general3A_228 = arith.constant dense<0.000000e+00> : vector<2048x128xf32>
    %dot_general3A_229 = tpu.matmul %get3A_1, %slice3A_227, %dot_general3A_228 {dimension_numbers = #tpu.dot_dimension_numbers<[1], [0], [0], [1], [0, 0, 1, 1], [], []>, transpose_lhs_hint = false} : vector<2048x32xbf16>, vector<32x128xbf16>, vector<2048x128xf32> -> vector<2048x128xf32>
    %exp23A_230 = math.exp2 %dot_general3A_229 : vector<2048x128xf32>
    %add3A_231 = arith.addf %add3A_226, %exp23A_230 : vector<2048x128xf32>
    %slice3A_232 = vector.extract_strided_slice %get3A_4 {offsets = [0, 5888], sizes = [32, 128], strides = [1, 1]} : vector<32x10240xbf16> to vector<32x128xbf16>
    %dot_general3A_233 = arith.constant dense<0.000000e+00> : vector<2048x128xf32>
    %dot_general3A_234 = tpu.matmul %get3A_1, %slice3A_232, %dot_general3A_233 {dimension_numbers = #tpu.dot_dimension_numbers<[1], [0], [0], [1], [0, 0, 1, 1], [], []>, transpose_lhs_hint = false} : vector<2048x32xbf16>, vector<32x128xbf16>, vector<2048x128xf32> -> vector<2048x128xf32>
    %exp23A_235 = math.exp2 %dot_general3A_234 : vector<2048x128xf32>
    %add3A_236 = arith.addf %add3A_231, %exp23A_235 : vector<2048x128xf32>
    %slice3A_237 = vector.extract_strided_slice %get3A_4 {offsets = [0, 6016], sizes = [32, 128], strides = [1, 1]} : vector<32x10240xbf16> to vector<32x128xbf16>
    %dot_general3A_238 = arith.constant dense<0.000000e+00> : vector<2048x128xf32>
    %dot_general3A_239 = tpu.matmul %get3A_1, %slice3A_237, %dot_general3A_238 {dimension_numbers = #tpu.dot_dimension_numbers<[1], [0], [0], [1], [0, 0, 1, 1], [], []>, transpose_lhs_hint = false} : vector<2048x32xbf16>, vector<32x128xbf16>, vector<2048x128xf32> -> vector<2048x128xf32>
    %exp23A_240 = math.exp2 %dot_general3A_239 : vector<2048x128xf32>
    %add3A_241 = arith.addf %add3A_236, %exp23A_240 : vector<2048x128xf32>
    %slice3A_242 = vector.extract_strided_slice %get3A_4 {offsets = [0, 6144], sizes = [32, 128], strides = [1, 1]} : vector<32x10240xbf16> to vector<32x128xbf16>
    %dot_general3A_243 = arith.constant dense<0.000000e+00> : vector<2048x128xf32>
    %dot_general3A_244 = tpu.matmul %get3A_1, %slice3A_242, %dot_general3A_243 {dimension_numbers = #tpu.dot_dimension_numbers<[1], [0], [0], [1], [0, 0, 1, 1], [], []>, transpose_lhs_hint = false} : vector<2048x32xbf16>, vector<32x128xbf16>, vector<2048x128xf32> -> vector<2048x128xf32>
    %exp23A_245 = math.exp2 %dot_general3A_244 : vector<2048x128xf32>
    %add3A_246 = arith.addf %add3A_241, %exp23A_245 : vector<2048x128xf32>
    %slice3A_247 = vector.extract_strided_slice %get3A_4 {offsets = [0, 6272], sizes = [32, 128], strides = [1, 1]} : vector<32x10240xbf16> to vector<32x128xbf16>
    %dot_general3A_248 = arith.constant dense<0.000000e+00> : vector<2048x128xf32>
    %dot_general3A_249 = tpu.matmul %get3A_1, %slice3A_247, %dot_general3A_248 {dimension_numbers = #tpu.dot_dimension_numbers<[1], [0], [0], [1], [0, 0, 1, 1], [], []>, transpose_lhs_hint = false} : vector<2048x32xbf16>, vector<32x128xbf16>, vector<2048x128xf32> -> vector<2048x128xf32>
    %exp23A_250 = math.exp2 %dot_general3A_249 : vector<2048x128xf32>
    %add3A_251 = arith.addf %add3A_246, %exp23A_250 : vector<2048x128xf32>
    %slice3A_252 = vector.extract_strided_slice %get3A_4 {offsets = [0, 6400], sizes = [32, 128], strides = [1, 1]} : vector<32x10240xbf16> to vector<32x128xbf16>
    %dot_general3A_253 = arith.constant dense<0.000000e+00> : vector<2048x128xf32>
    %dot_general3A_254 = tpu.matmul %get3A_1, %slice3A_252, %dot_general3A_253 {dimension_numbers = #tpu.dot_dimension_numbers<[1], [0], [0], [1], [0, 0, 1, 1], [], []>, transpose_lhs_hint = false} : vector<2048x32xbf16>, vector<32x128xbf16>, vector<2048x128xf32> -> vector<2048x128xf32>
    %exp23A_255 = math.exp2 %dot_general3A_254 : vector<2048x128xf32>
    %add3A_256 = arith.addf %add3A_251, %exp23A_255 : vector<2048x128xf32>
    %slice3A_257 = vector.extract_strided_slice %get3A_4 {offsets = [0, 6528], sizes = [32, 128], strides = [1, 1]} : vector<32x10240xbf16> to vector<32x128xbf16>
    %dot_general3A_258 = arith.constant dense<0.000000e+00> : vector<2048x128xf32>
    %dot_general3A_259 = tpu.matmul %get3A_1, %slice3A_257, %dot_general3A_258 {dimension_numbers = #tpu.dot_dimension_numbers<[1], [0], [0], [1], [0, 0, 1, 1], [], []>, transpose_lhs_hint = false} : vector<2048x32xbf16>, vector<32x128xbf16>, vector<2048x128xf32> -> vector<2048x128xf32>
    %exp23A_260 = math.exp2 %dot_general3A_259 : vector<2048x128xf32>
    %add3A_261 = arith.addf %add3A_256, %exp23A_260 : vector<2048x128xf32>
    %slice3A_262 = vector.extract_strided_slice %get3A_4 {offsets = [0, 6656], sizes = [32, 128], strides = [1, 1]} : vector<32x10240xbf16> to vector<32x128xbf16>
    %dot_general3A_263 = arith.constant dense<0.000000e+00> : vector<2048x128xf32>
    %dot_general3A_264 = tpu.matmul %get3A_1, %slice3A_262, %dot_general3A_263 {dimension_numbers = #tpu.dot_dimension_numbers<[1], [0], [0], [1], [0, 0, 1, 1], [], []>, transpose_lhs_hint = false} : vector<2048x32xbf16>, vector<32x128xbf16>, vector<2048x128xf32> -> vector<2048x128xf32>
    %exp23A_265 = math.exp2 %dot_general3A_264 : vector<2048x128xf32>
    %add3A_266 = arith.addf %add3A_261, %exp23A_265 : vector<2048x128xf32>
    %slice3A_267 = vector.extract_strided_slice %get3A_4 {offsets = [0, 6784], sizes = [32, 128], strides = [1, 1]} : vector<32x10240xbf16> to vector<32x128xbf16>
    %dot_general3A_268 = arith.constant dense<0.000000e+00> : vector<2048x128xf32>
    %dot_general3A_269 = tpu.matmul %get3A_1, %slice3A_267, %dot_general3A_268 {dimension_numbers = #tpu.dot_dimension_numbers<[1], [0], [0], [1], [0, 0, 1, 1], [], []>, transpose_lhs_hint = false} : vector<2048x32xbf16>, vector<32x128xbf16>, vector<2048x128xf32> -> vector<2048x128xf32>
    %exp23A_270 = math.exp2 %dot_general3A_269 : vector<2048x128xf32>
    %add3A_271 = arith.addf %add3A_266, %exp23A_270 : vector<2048x128xf32>
    %slice3A_272 = vector.extract_strided_slice %get3A_4 {offsets = [0, 6912], sizes = [32, 128], strides = [1, 1]} : vector<32x10240xbf16> to vector<32x128xbf16>
    %dot_general3A_273 = arith.constant dense<0.000000e+00> : vector<2048x128xf32>
    %dot_general3A_274 = tpu.matmul %get3A_1, %slice3A_272, %dot_general3A_273 {dimension_numbers = #tpu.dot_dimension_numbers<[1], [0], [0], [1], [0, 0, 1, 1], [], []>, transpose_lhs_hint = false} : vector<2048x32xbf16>, vector<32x128xbf16>, vector<2048x128xf32> -> vector<2048x128xf32>
    %exp23A_275 = math.exp2 %dot_general3A_274 : vector<2048x128xf32>
    %add3A_276 = arith.addf %add3A_271, %exp23A_275 : vector<2048x128xf32>
    %slice3A_277 = vector.extract_strided_slice %get3A_4 {offsets = [0, 7040], sizes = [32, 128], strides = [1, 1]} : vector<32x10240xbf16> to vector<32x128xbf16>
    %dot_general3A_278 = arith.constant dense<0.000000e+00> : vector<2048x128xf32>
    %dot_general3A_279 = tpu.matmul %get3A_1, %slice3A_277, %dot_general3A_278 {dimension_numbers = #tpu.dot_dimension_numbers<[1], [0], [0], [1], [0, 0, 1, 1], [], []>, transpose_lhs_hint = false} : vector<2048x32xbf16>, vector<32x128xbf16>, vector<2048x128xf32> -> vector<2048x128xf32>
    %exp23A_280 = math.exp2 %dot_general3A_279 : vector<2048x128xf32>
    %add3A_281 = arith.addf %add3A_276, %exp23A_280 : vector<2048x128xf32>
    %slice3A_282 = vector.extract_strided_slice %get3A_4 {offsets = [0, 7168], sizes = [32, 128], strides = [1, 1]} : vector<32x10240xbf16> to vector<32x128xbf16>
    %dot_general3A_283 = arith.constant dense<0.000000e+00> : vector<2048x128xf32>
    %dot_general3A_284 = tpu.matmul %get3A_1, %slice3A_282, %dot_general3A_283 {dimension_numbers = #tpu.dot_dimension_numbers<[1], [0], [0], [1], [0, 0, 1, 1], [], []>, transpose_lhs_hint = false} : vector<2048x32xbf16>, vector<32x128xbf16>, vector<2048x128xf32> -> vector<2048x128xf32>
    %exp23A_285 = math.exp2 %dot_general3A_284 : vector<2048x128xf32>
    %add3A_286 = arith.addf %add3A_281, %exp23A_285 : vector<2048x128xf32>
    %slice3A_287 = vector.extract_strided_slice %get3A_4 {offsets = [0, 7296], sizes = [32, 128], strides = [1, 1]} : vector<32x10240xbf16> to vector<32x128xbf16>
    %dot_general3A_288 = arith.constant dense<0.000000e+00> : vector<2048x128xf32>
    %dot_general3A_289 = tpu.matmul %get3A_1, %slice3A_287, %dot_general3A_288 {dimension_numbers = #tpu.dot_dimension_numbers<[1], [0], [0], [1], [0, 0, 1, 1], [], []>, transpose_lhs_hint = false} : vector<2048x32xbf16>, vector<32x128xbf16>, vector<2048x128xf32> -> vector<2048x128xf32>
    %exp23A_290 = math.exp2 %dot_general3A_289 : vector<2048x128xf32>
    %add3A_291 = arith.addf %add3A_286, %exp23A_290 : vector<2048x128xf32>
    %slice3A_292 = vector.extract_strided_slice %get3A_4 {offsets = [0, 7424], sizes = [32, 128], strides = [1, 1]} : vector<32x10240xbf16> to vector<32x128xbf16>
    %dot_general3A_293 = arith.constant dense<0.000000e+00> : vector<2048x128xf32>
    %dot_general3A_294 = tpu.matmul %get3A_1, %slice3A_292, %dot_general3A_293 {dimension_numbers = #tpu.dot_dimension_numbers<[1], [0], [0], [1], [0, 0, 1, 1], [], []>, transpose_lhs_hint = false} : vector<2048x32xbf16>, vector<32x128xbf16>, vector<2048x128xf32> -> vector<2048x128xf32>
    %exp23A_295 = math.exp2 %dot_general3A_294 : vector<2048x128xf32>
    %add3A_296 = arith.addf %add3A_291, %exp23A_295 : vector<2048x128xf32>
    %slice3A_297 = vector.extract_strided_slice %get3A_4 {offsets = [0, 7552], sizes = [32, 128], strides = [1, 1]} : vector<32x10240xbf16> to vector<32x128xbf16>
    %dot_general3A_298 = arith.constant dense<0.000000e+00> : vector<2048x128xf32>
    %dot_general3A_299 = tpu.matmul %get3A_1, %slice3A_297, %dot_general3A_298 {dimension_numbers = #tpu.dot_dimension_numbers<[1], [0], [0], [1], [0, 0, 1, 1], [], []>, transpose_lhs_hint = false} : vector<2048x32xbf16>, vector<32x128xbf16>, vector<2048x128xf32> -> vector<2048x128xf32>
    %exp23A_300 = math.exp2 %dot_general3A_299 : vector<2048x128xf32>
    %add3A_301 = arith.addf %add3A_296, %exp23A_300 : vector<2048x128xf32>
    %slice3A_302 = vector.extract_strided_slice %get3A_4 {offsets = [0, 7680], sizes = [32, 128], strides = [1, 1]} : vector<32x10240xbf16> to vector<32x128xbf16>
    %dot_general3A_303 = arith.constant dense<0.000000e+00> : vector<2048x128xf32>
    %dot_general3A_304 = tpu.matmul %get3A_1, %slice3A_302, %dot_general3A_303 {dimension_numbers = #tpu.dot_dimension_numbers<[1], [0], [0], [1], [0, 0, 1, 1], [], []>, transpose_lhs_hint = false} : vector<2048x32xbf16>, vector<32x128xbf16>, vector<2048x128xf32> -> vector<2048x128xf32>
    %exp23A_305 = math.exp2 %dot_general3A_304 : vector<2048x128xf32>
    %add3A_306 = arith.addf %add3A_301, %exp23A_305 : vector<2048x128xf32>
    %slice3A_307 = vector.extract_strided_slice %get3A_4 {offsets = [0, 7808], sizes = [32, 128], strides = [1, 1]} : vector<32x10240xbf16> to vector<32x128xbf16>
    %dot_general3A_308 = arith.constant dense<0.000000e+00> : vector<2048x128xf32>
    %dot_general3A_309 = tpu.matmul %get3A_1, %slice3A_307, %dot_general3A_308 {dimension_numbers = #tpu.dot_dimension_numbers<[1], [0], [0], [1], [0, 0, 1, 1], [], []>, transpose_lhs_hint = false} : vector<2048x32xbf16>, vector<32x128xbf16>, vector<2048x128xf32> -> vector<2048x128xf32>
    %exp23A_310 = math.exp2 %dot_general3A_309 : vector<2048x128xf32>
    %add3A_311 = arith.addf %add3A_306, %exp23A_310 : vector<2048x128xf32>
    %slice3A_312 = vector.extract_strided_slice %get3A_4 {offsets = [0, 7936], sizes = [32, 128], strides = [1, 1]} : vector<32x10240xbf16> to vector<32x128xbf16>
    %dot_general3A_313 = arith.constant dense<0.000000e+00> : vector<2048x128xf32>
    %dot_general3A_314 = tpu.matmul %get3A_1, %slice3A_312, %dot_general3A_313 {dimension_numbers = #tpu.dot_dimension_numbers<[1], [0], [0], [1], [0, 0, 1, 1], [], []>, transpose_lhs_hint = false} : vector<2048x32xbf16>, vector<32x128xbf16>, vector<2048x128xf32> -> vector<2048x128xf32>
    %exp23A_315 = math.exp2 %dot_general3A_314 : vector<2048x128xf32>
    %add3A_316 = arith.addf %add3A_311, %exp23A_315 : vector<2048x128xf32>
    %slice3A_317 = vector.extract_strided_slice %get3A_4 {offsets = [0, 8064], sizes = [32, 128], strides = [1, 1]} : vector<32x10240xbf16> to vector<32x128xbf16>
    %dot_general3A_318 = arith.constant dense<0.000000e+00> : vector<2048x128xf32>
    %dot_general3A_319 = tpu.matmul %get3A_1, %slice3A_317, %dot_general3A_318 {dimension_numbers = #tpu.dot_dimension_numbers<[1], [0], [0], [1], [0, 0, 1, 1], [], []>, transpose_lhs_hint = false} : vector<2048x32xbf16>, vector<32x128xbf16>, vector<2048x128xf32> -> vector<2048x128xf32>
    %exp23A_320 = math.exp2 %dot_general3A_319 : vector<2048x128xf32>
    %add3A_321 = arith.addf %add3A_316, %exp23A_320 : vector<2048x128xf32>
    %slice3A_322 = vector.extract_strided_slice %get3A_4 {offsets = [0, 8192], sizes = [32, 128], strides = [1, 1]} : vector<32x10240xbf16> to vector<32x128xbf16>
    %dot_general3A_323 = arith.constant dense<0.000000e+00> : vector<2048x128xf32>
    %dot_general3A_324 = tpu.matmul %get3A_1, %slice3A_322, %dot_general3A_323 {dimension_numbers = #tpu.dot_dimension_numbers<[1], [0], [0], [1], [0, 0, 1, 1], [], []>, transpose_lhs_hint = false} : vector<2048x32xbf16>, vector<32x128xbf16>, vector<2048x128xf32> -> vector<2048x128xf32>
    %exp23A_325 = math.exp2 %dot_general3A_324 : vector<2048x128xf32>
    %add3A_326 = arith.addf %add3A_321, %exp23A_325 : vector<2048x128xf32>
    %slice3A_327 = vector.extract_strided_slice %get3A_4 {offsets = [0, 8320], sizes = [32, 128], strides = [1, 1]} : vector<32x10240xbf16> to vector<32x128xbf16>
    %dot_general3A_328 = arith.constant dense<0.000000e+00> : vector<2048x128xf32>
    %dot_general3A_329 = tpu.matmul %get3A_1, %slice3A_327, %dot_general3A_328 {dimension_numbers = #tpu.dot_dimension_numbers<[1], [0], [0], [1], [0, 0, 1, 1], [], []>, transpose_lhs_hint = false} : vector<2048x32xbf16>, vector<32x128xbf16>, vector<2048x128xf32> -> vector<2048x128xf32>
    %exp23A_330 = math.exp2 %dot_general3A_329 : vector<2048x128xf32>
    %add3A_331 = arith.addf %add3A_326, %exp23A_330 : vector<2048x128xf32>
    %slice3A_332 = vector.extract_strided_slice %get3A_4 {offsets = [0, 8448], sizes = [32, 128], strides = [1, 1]} : vector<32x10240xbf16> to vector<32x128xbf16>
    %dot_general3A_333 = arith.constant dense<0.000000e+00> : vector<2048x128xf32>
    %dot_general3A_334 = tpu.matmul %get3A_1, %slice3A_332, %dot_general3A_333 {dimension_numbers = #tpu.dot_dimension_numbers<[1], [0], [0], [1], [0, 0, 1, 1], [], []>, transpose_lhs_hint = false} : vector<2048x32xbf16>, vector<32x128xbf16>, vector<2048x128xf32> -> vector<2048x128xf32>
    %exp23A_335 = math.exp2 %dot_general3A_334 : vector<2048x128xf32>
    %add3A_336 = arith.addf %add3A_331, %exp23A_335 : vector<2048x128xf32>
    %slice3A_337 = vector.extract_strided_slice %get3A_4 {offsets = [0, 8576], sizes = [32, 128], strides = [1, 1]} : vector<32x10240xbf16> to vector<32x128xbf16>
    %dot_general3A_338 = arith.constant dense<0.000000e+00> : vector<2048x128xf32>
    %dot_general3A_339 = tpu.matmul %get3A_1, %slice3A_337, %dot_general3A_338 {dimension_numbers = #tpu.dot_dimension_numbers<[1], [0], [0], [1], [0, 0, 1, 1], [], []>, transpose_lhs_hint = false} : vector<2048x32xbf16>, vector<32x128xbf16>, vector<2048x128xf32> -> vector<2048x128xf32>
    %exp23A_340 = math.exp2 %dot_general3A_339 : vector<2048x128xf32>
    %add3A_341 = arith.addf %add3A_336, %exp23A_340 : vector<2048x128xf32>
    %slice3A_342 = vector.extract_strided_slice %get3A_4 {offsets = [0, 8704], sizes = [32, 128], strides = [1, 1]} : vector<32x10240xbf16> to vector<32x128xbf16>
    %dot_general3A_343 = arith.constant dense<0.000000e+00> : vector<2048x128xf32>
    %dot_general3A_344 = tpu.matmul %get3A_1, %slice3A_342, %dot_general3A_343 {dimension_numbers = #tpu.dot_dimension_numbers<[1], [0], [0], [1], [0, 0, 1, 1], [], []>, transpose_lhs_hint = false} : vector<2048x32xbf16>, vector<32x128xbf16>, vector<2048x128xf32> -> vector<2048x128xf32>
    %exp23A_345 = math.exp2 %dot_general3A_344 : vector<2048x128xf32>
    %add3A_346 = arith.addf %add3A_341, %exp23A_345 : vector<2048x128xf32>
    %slice3A_347 = vector.extract_strided_slice %get3A_4 {offsets = [0, 8832], sizes = [32, 128], strides = [1, 1]} : vector<32x10240xbf16> to vector<32x128xbf16>
    %dot_general3A_348 = arith.constant dense<0.000000e+00> : vector<2048x128xf32>
    %dot_general3A_349 = tpu.matmul %get3A_1, %slice3A_347, %dot_general3A_348 {dimension_numbers = #tpu.dot_dimension_numbers<[1], [0], [0], [1], [0, 0, 1, 1], [], []>, transpose_lhs_hint = false} : vector<2048x32xbf16>, vector<32x128xbf16>, vector<2048x128xf32> -> vector<2048x128xf32>
    %exp23A_350 = math.exp2 %dot_general3A_349 : vector<2048x128xf32>
    %add3A_351 = arith.addf %add3A_346, %exp23A_350 : vector<2048x128xf32>
    %slice3A_352 = vector.extract_strided_slice %get3A_4 {offsets = [0, 8960], sizes = [32, 128], strides = [1, 1]} : vector<32x10240xbf16> to vector<32x128xbf16>
    %dot_general3A_353 = arith.constant dense<0.000000e+00> : vector<2048x128xf32>
    %dot_general3A_354 = tpu.matmul %get3A_1, %slice3A_352, %dot_general3A_353 {dimension_numbers = #tpu.dot_dimension_numbers<[1], [0], [0], [1], [0, 0, 1, 1], [], []>, transpose_lhs_hint = false} : vector<2048x32xbf16>, vector<32x128xbf16>, vector<2048x128xf32> -> vector<2048x128xf32>
    %exp23A_355 = math.exp2 %dot_general3A_354 : vector<2048x128xf32>
    %add3A_356 = arith.addf %add3A_351, %exp23A_355 : vector<2048x128xf32>
    %slice3A_357 = vector.extract_strided_slice %get3A_4 {offsets = [0, 9088], sizes = [32, 128], strides = [1, 1]} : vector<32x10240xbf16> to vector<32x128xbf16>
    %dot_general3A_358 = arith.constant dense<0.000000e+00> : vector<2048x128xf32>
    %dot_general3A_359 = tpu.matmul %get3A_1, %slice3A_357, %dot_general3A_358 {dimension_numbers = #tpu.dot_dimension_numbers<[1], [0], [0], [1], [0, 0, 1, 1], [], []>, transpose_lhs_hint = false} : vector<2048x32xbf16>, vector<32x128xbf16>, vector<2048x128xf32> -> vector<2048x128xf32>
    %exp23A_360 = math.exp2 %dot_general3A_359 : vector<2048x128xf32>
    %add3A_361 = arith.addf %add3A_356, %exp23A_360 : vector<2048x128xf32>
    %slice3A_362 = vector.extract_strided_slice %get3A_4 {offsets = [0, 9216], sizes = [32, 128], strides = [1, 1]} : vector<32x10240xbf16> to vector<32x128xbf16>
    %dot_general3A_363 = arith.constant dense<0.000000e+00> : vector<2048x128xf32>
    %dot_general3A_364 = tpu.matmul %get3A_1, %slice3A_362, %dot_general3A_363 {dimension_numbers = #tpu.dot_dimension_numbers<[1], [0], [0], [1], [0, 0, 1, 1], [], []>, transpose_lhs_hint = false} : vector<2048x32xbf16>, vector<32x128xbf16>, vector<2048x128xf32> -> vector<2048x128xf32>
    %exp23A_365 = math.exp2 %dot_general3A_364 : vector<2048x128xf32>
    %add3A_366 = arith.addf %add3A_361, %exp23A_365 : vector<2048x128xf32>
    %slice3A_367 = vector.extract_strided_slice %get3A_4 {offsets = [0, 9344], sizes = [32, 128], strides = [1, 1]} : vector<32x10240xbf16> to vector<32x128xbf16>
    %dot_general3A_368 = arith.constant dense<0.000000e+00> : vector<2048x128xf32>
    %dot_general3A_369 = tpu.matmul %get3A_1, %slice3A_367, %dot_general3A_368 {dimension_numbers = #tpu.dot_dimension_numbers<[1], [0], [0], [1], [0, 0, 1, 1], [], []>, transpose_lhs_hint = false} : vector<2048x32xbf16>, vector<32x128xbf16>, vector<2048x128xf32> -> vector<2048x128xf32>
    %exp23A_370 = math.exp2 %dot_general3A_369 : vector<2048x128xf32>
    %add3A_371 = arith.addf %add3A_366, %exp23A_370 : vector<2048x128xf32>
    %slice3A_372 = vector.extract_strided_slice %get3A_4 {offsets = [0, 9472], sizes = [32, 128], strides = [1, 1]} : vector<32x10240xbf16> to vector<32x128xbf16>
    %dot_general3A_373 = arith.constant dense<0.000000e+00> : vector<2048x128xf32>
    %dot_general3A_374 = tpu.matmul %get3A_1, %slice3A_372, %dot_general3A_373 {dimension_numbers = #tpu.dot_dimension_numbers<[1], [0], [0], [1], [0, 0, 1, 1], [], []>, transpose_lhs_hint = false} : vector<2048x32xbf16>, vector<32x128xbf16>, vector<2048x128xf32> -> vector<2048x128xf32>
    %exp23A_375 = math.exp2 %dot_general3A_374 : vector<2048x128xf32>
    %add3A_376 = arith.addf %add3A_371, %exp23A_375 : vector<2048x128xf32>
    %slice3A_377 = vector.extract_strided_slice %get3A_4 {offsets = [0, 9600], sizes = [32, 128], strides = [1, 1]} : vector<32x10240xbf16> to vector<32x128xbf16>
    %dot_general3A_378 = arith.constant dense<0.000000e+00> : vector<2048x128xf32>
    %dot_general3A_379 = tpu.matmul %get3A_1, %slice3A_377, %dot_general3A_378 {dimension_numbers = #tpu.dot_dimension_numbers<[1], [0], [0], [1], [0, 0, 1, 1], [], []>, transpose_lhs_hint = false} : vector<2048x32xbf16>, vector<32x128xbf16>, vector<2048x128xf32> -> vector<2048x128xf32>
    %exp23A_380 = math.exp2 %dot_general3A_379 : vector<2048x128xf32>
    %add3A_381 = arith.addf %add3A_376, %exp23A_380 : vector<2048x128xf32>
    %slice3A_382 = vector.extract_strided_slice %get3A_4 {offsets = [0, 9728], sizes = [32, 128], strides = [1, 1]} : vector<32x10240xbf16> to vector<32x128xbf16>
    %dot_general3A_383 = arith.constant dense<0.000000e+00> : vector<2048x128xf32>
    %dot_general3A_384 = tpu.matmul %get3A_1, %slice3A_382, %dot_general3A_383 {dimension_numbers = #tpu.dot_dimension_numbers<[1], [0], [0], [1], [0, 0, 1, 1], [], []>, transpose_lhs_hint = false} : vector<2048x32xbf16>, vector<32x128xbf16>, vector<2048x128xf32> -> vector<2048x128xf32>
    %exp23A_385 = math.exp2 %dot_general3A_384 : vector<2048x128xf32>
    %add3A_386 = arith.addf %add3A_381, %exp23A_385 : vector<2048x128xf32>
    %slice3A_387 = vector.extract_strided_slice %get3A_4 {offsets = [0, 9856], sizes = [32, 128], strides = [1, 1]} : vector<32x10240xbf16> to vector<32x128xbf16>
    %dot_general3A_388 = arith.constant dense<0.000000e+00> : vector<2048x128xf32>
    %dot_general3A_389 = tpu.matmul %get3A_1, %slice3A_387, %dot_general3A_388 {dimension_numbers = #tpu.dot_dimension_numbers<[1], [0], [0], [1], [0, 0, 1, 1], [], []>, transpose_lhs_hint = false} : vector<2048x32xbf16>, vector<32x128xbf16>, vector<2048x128xf32> -> vector<2048x128xf32>
    %exp23A_390 = math.exp2 %dot_general3A_389 : vector<2048x128xf32>
    %add3A_391 = arith.addf %add3A_386, %exp23A_390 : vector<2048x128xf32>
    %slice3A_392 = vector.extract_strided_slice %get3A_4 {offsets = [0, 9984], sizes = [32, 128], strides = [1, 1]} : vector<32x10240xbf16> to vector<32x128xbf16>
    %dot_general3A_393 = arith.constant dense<0.000000e+00> : vector<2048x128xf32>
    %dot_general3A_394 = tpu.matmul %get3A_1, %slice3A_392, %dot_general3A_393 {dimension_numbers = #tpu.dot_dimension_numbers<[1], [0], [0], [1], [0, 0, 1, 1], [], []>, transpose_lhs_hint = false} : vector<2048x32xbf16>, vector<32x128xbf16>, vector<2048x128xf32> -> vector<2048x128xf32>
    %exp23A_395 = math.exp2 %dot_general3A_394 : vector<2048x128xf32>
    %add3A_396 = arith.addf %add3A_391, %exp23A_395 : vector<2048x128xf32>
    %slice3A_397 = vector.extract_strided_slice %get3A_4 {offsets = [0, 10112], sizes = [32, 128], strides = [1, 1]} : vector<32x10240xbf16> to vector<32x128xbf16>
    %dot_general3A_398 = arith.constant dense<0.000000e+00> : vector<2048x128xf32>
    %dot_general3A_399 = tpu.matmul %get3A_1, %slice3A_397, %dot_general3A_398 {dimension_numbers = #tpu.dot_dimension_numbers<[1], [0], [0], [1], [0, 0, 1, 1], [], []>, transpose_lhs_hint = false} : vector<2048x32xbf16>, vector<32x128xbf16>, vector<2048x128xf32> -> vector<2048x128xf32>
    %exp23A_400 = math.exp2 %dot_general3A_399 : vector<2048x128xf32>
    %add3A_401 = arith.addf %add3A_396, %exp23A_400 : vector<2048x128xf32>
    %get3A_402 = arith.constant 0 : index
    %get3A_403 = arith.constant 0 : index
    %get3A_404 = vector.load %arg4[%get3A_402, %get3A_403] : memref<2048x128xf32, #tpu.memory_space<vmem>>, vector<2048x128xf32>
    %add3A_405 = arith.addf %get3A_404, %add3A_401 : vector<2048x128xf32>
    %swap3A = arith.constant 0 : index
    %swap3A_406 = arith.constant 0 : index
    %swap3A_407 = vector.load %arg4[%swap3A, %swap3A_406] : memref<2048x128xf32, #tpu.memory_space<vmem>>, vector<2048x128xf32>
    tpu.vector_store %arg4[%swap3A, %swap3A_406], %add3A_405 {strides = array<i32>} : memref<2048x128xf32, #tpu.memory_space<vmem>>, vector<2048x128xf32>,
    %eq3A_408 = arith.constant 9 : i32
    %eq3A_409 = arith.cmpi eq, %arg0, %eq3A_408 : i32
    %convert_element_type3A_410 = arith.extui %eq3A_409 : i1 to i32
    %cond3A_411 = arith.constant 0 : i32
    %cond3A_412 = arith.cmpi ne, %convert_element_type3A_410, %cond3A_411 : i32
    scf.if %cond3A_412 {
      %get3A_413 = arith.constant 0 : index
      %get3A_414 = arith.constant 0 : index
      %get3A_415 = vector.load %arg4[%get3A_413, %get3A_414] : memref<2048x128xf32, #tpu.memory_space<vmem>>, vector<2048x128xf32>
      %reduce_sum3A = arith.constant dense<0.000000e+00> : vector<2048xf32>
      %reduce_sum3A_416 = vector.multi_reduction <add>, %get3A_415, %reduce_sum3A [1] : vector<2048x128xf32> to vector<2048xf32>
      %broadcast_in_dim3A = vector.shape_cast %reduce_sum3A_416 : vector<2048xf32> to vector<2048x1xf32>
      %swap3A_417 = arith.constant 0 : index
      %swap3A_418 = arith.constant 0 : index
      %swap3A_419 = vector.load %arg3[%swap3A_417, %swap3A_418] : memref<2048x1xf32, #tpu.memory_space<vmem>>, vector<2048x1xf32>
      tpu.vector_store %arg3[%swap3A_417, %swap3A_418], %broadcast_in_dim3A {strides = array<i32>} : memref<2048x1xf32, #tpu.memory_space<vmem>>, vector<2048x1xf32>,
    } else {
    }
    return
  }
  func.func @transform_0(%arg0: i32) -> (i32, i32) {
    %c0_i32 = arith.constant 0 : i32
    %c0_i32_0 = arith.constant 0 : i32
    %c0_i32_1 = arith.constant 0 : i32
    return %c0_i32, %c0_i32_0 : i32, i32
  }
  func.func @transform_1(%arg0: i32) -> (i32, i32) {
    %c0_i32 = arith.constant 0 : i32
    %c0_i32_0 = arith.constant 0 : i32
    return %c0_i32, %arg0 : i32, i32
  }
  func.func @transform_2(%arg0: i32) -> (i32, i32) {
    %c0_i32 = arith.constant 0 : i32
    %c0_i32_0 = arith.constant 0 : i32
    %c0_i32_1 = arith.constant 0 : i32
    return %c0_i32, %c0_i32_0 : i32, i32
  }
}

module attributes {stable_mosaic.version = 14 : i64} {
  func.func @_combine_body(%arg0: memref<2048x32xf32, #tpu.memory_space<vmem>>, %arg1: memref<1024x32xbf16, #tpu.memory_space<vmem>>, %arg2: memref<1024x32xbf16, #tpu.memory_space<vmem>>, %arg3: memref<2048x1xf32, #tpu.memory_space<vmem>>, %arg4: memref<1x1xf32, #tpu.memory_space<smem>>) attributes {dimension_semantics = [], scalar_prefetch = 0 : i64, scratch_operands = 0 : i64, tpu.core_type = #tpu.core_type<tc>} {
    %get3A = arith.constant 0 : index
    %get3A_0 = arith.constant 0 : index
    %get3A_1 = vector.load %arg3[%get3A, %get3A_0] : memref<2048x1xf32, #tpu.memory_space<vmem>>, vector<2048x1xf32>
    %sub3A = arith.constant 2.400000e+03 : f32
    %sub3A_2 = vector.broadcast %sub3A : f32 to vector<2048x1xf32>
    %sub3A_3 = arith.subf %get3A_1, %sub3A_2 : vector<2048x1xf32>
    %log3A = math.log %sub3A_3 : vector<2048x1xf32>
    %get3A_4 = arith.constant 0 : index
    %get3A_5 = arith.constant 0 : index
    %get3A_6 = vector.load %arg0[%get3A_4, %get3A_5] : memref<2048x32xf32, #tpu.memory_space<vmem>>, vector<2048x32xf32>
    %get3A_7 = arith.constant 0 : index
    %get3A_8 = arith.constant 0 : index
    %get3A_9 = vector.load %arg1[%get3A_7, %get3A_8] : memref<1024x32xbf16, #tpu.memory_space<vmem>>, vector<1024x32xbf16>
    %convert_element_type3A = arith.extf %get3A_9 : vector<1024x32xbf16> to vector<1024x32xf32>
    %get3A_10 = arith.constant 0 : index
    %get3A_11 = arith.constant 0 : index
    %get3A_12 = vector.load %arg2[%get3A_10, %get3A_11] : memref<1024x32xbf16, #tpu.memory_space<vmem>>, vector<1024x32xbf16>
    %convert_element_type3A_13 = arith.extf %get3A_12 : vector<1024x32xbf16> to vector<1024x32xf32>
    %slice3A = vector.extract_strided_slice %get3A_6 {offsets = [0, 0], sizes = [1024, 32], strides = [1, 1]} : vector<2048x32xf32> to vector<1024x32xf32>
    %slice3A_14 = vector.extract_strided_slice %get3A_6 {offsets = [1024, 0], sizes = [1024, 32], strides = [1, 1]} : vector<2048x32xf32> to vector<1024x32xf32>
    %mul3A = arith.mulf %slice3A, %convert_element_type3A : vector<1024x32xf32>
    %reduce_sum3A = arith.constant dense<0.000000e+00> : vector<1024xf32>
    %reduce_sum3A_15 = vector.multi_reduction <add>, %mul3A, %reduce_sum3A [1] : vector<1024x32xf32> to vector<1024xf32>
    %broadcast_in_dim3A = vector.shape_cast %reduce_sum3A_15 : vector<1024xf32> to vector<1024x1xf32>
    %mul3A_16 = arith.mulf %slice3A_14, %convert_element_type3A : vector<1024x32xf32>
    %reduce_sum3A_17 = arith.constant dense<0.000000e+00> : vector<1024xf32>
    %reduce_sum3A_18 = vector.multi_reduction <add>, %mul3A_16, %reduce_sum3A_17 [1] : vector<1024x32xf32> to vector<1024xf32>
    %broadcast_in_dim3A_19 = vector.shape_cast %reduce_sum3A_18 : vector<1024xf32> to vector<1024x1xf32>
    %slice3A_20 = vector.extract_strided_slice %log3A {offsets = [0, 0], sizes = [1024, 1], strides = [1, 1]} : vector<2048x1xf32> to vector<1024x1xf32>
    %sub3A_21 = arith.subf %slice3A_20, %broadcast_in_dim3A : vector<1024x1xf32>
    %reduce_sum3A_22 = vector.shape_cast %sub3A_21 : vector<1024x1xf32> to vector<1x1024x1xf32>
    %reduce_sum3A_23 = arith.constant dense<0.000000e+00> : vector<1xf32>
    %reduce_sum3A_24 = vector.multi_reduction <add>, %reduce_sum3A_22, %reduce_sum3A_23 [1, 2] : vector<1x1024x1xf32> to vector<1xf32>
    %reduce_sum3A_25 = vector.shape_cast %reduce_sum3A_24 : vector<1xf32> to vector<1x1x1xf32>
    %reduce_sum3A_26 = vector.extract %reduce_sum3A_25[0, 0, 0] : f32 from vector<1x1x1xf32>
    %div3A = arith.constant 1.024000e+03 : f32
    %div3A_27 = arith.divf %reduce_sum3A_26, %div3A : f32
    %slice3A_28 = vector.extract_strided_slice %log3A {offsets = [1024, 0], sizes = [1024, 1], strides = [1, 1]} : vector<2048x1xf32> to vector<1024x1xf32>
    %sub3A_29 = arith.subf %slice3A_28, %broadcast_in_dim3A_19 : vector<1024x1xf32>
    %reduce_sum3A_30 = vector.shape_cast %sub3A_29 : vector<1024x1xf32> to vector<1x1024x1xf32>
    %reduce_sum3A_31 = arith.constant dense<0.000000e+00> : vector<1xf32>
    %reduce_sum3A_32 = vector.multi_reduction <add>, %reduce_sum3A_30, %reduce_sum3A_31 [1, 2] : vector<1x1024x1xf32> to vector<1xf32>
    %reduce_sum3A_33 = vector.shape_cast %reduce_sum3A_32 : vector<1xf32> to vector<1x1x1xf32>
    %reduce_sum3A_34 = vector.extract %reduce_sum3A_33[0, 0, 0] : f32 from vector<1x1x1xf32>
    %div3A_35 = arith.constant 1.024000e+03 : f32
    %div3A_36 = arith.divf %reduce_sum3A_34, %div3A_35 : f32
    %add3A = arith.addf %div3A_27, %div3A_36 : f32
    %sub3A_37 = arith.subf %slice3A, %convert_element_type3A_13 : vector<1024x32xf32>
    %integer_pow3A = arith.mulf %sub3A_37, %sub3A_37 : vector<1024x32xf32>
    %reduce_sum3A_38 = vector.shape_cast %integer_pow3A : vector<1024x32xf32> to vector<1x1024x32xf32>
    %reduce_sum3A_39 = arith.constant dense<0.000000e+00> : vector<1xf32>
    %reduce_sum3A_40 = vector.multi_reduction <add>, %reduce_sum3A_38, %reduce_sum3A_39 [1, 2] : vector<1x1024x32xf32> to vector<1xf32>
    %reduce_sum3A_41 = vector.shape_cast %reduce_sum3A_40 : vector<1xf32> to vector<1x1x1xf32>
    %reduce_sum3A_42 = vector.extract %reduce_sum3A_41[0, 0, 0] : f32 from vector<1x1x1xf32>
    %sub3A_43 = arith.subf %slice3A_14, %convert_element_type3A_13 : vector<1024x32xf32>
    %integer_pow3A_44 = arith.mulf %sub3A_43, %sub3A_43 : vector<1024x32xf32>
    %reduce_sum3A_45 = vector.shape_cast %integer_pow3A_44 : vector<1024x32xf32> to vector<1x1024x32xf32>
    %reduce_sum3A_46 = arith.constant dense<0.000000e+00> : vector<1xf32>
    %reduce_sum3A_47 = vector.multi_reduction <add>, %reduce_sum3A_45, %reduce_sum3A_46 [1, 2] : vector<1x1024x32xf32> to vector<1xf32>
    %reduce_sum3A_48 = vector.shape_cast %reduce_sum3A_47 : vector<1xf32> to vector<1x1x1xf32>
    %reduce_sum3A_49 = vector.extract %reduce_sum3A_48[0, 0, 0] : f32 from vector<1x1x1xf32>
    %add3A_50 = arith.addf %reduce_sum3A_42, %reduce_sum3A_49 : f32
    %mul3A_51 = arith.constant 5.000000e-01 : f32
    %mul3A_52 = arith.mulf %mul3A_51, %add3A_50 : f32
    %mul3A_53 = arith.constant 1.000000e-01 : f32
    %mul3A_54 = arith.mulf %mul3A_53, %mul3A_52 : f32
    %div3A_55 = arith.constant 1.024000e+03 : f32
    %div3A_56 = arith.divf %mul3A_54, %div3A_55 : f32
    %add3A_57 = arith.addf %add3A, %div3A_56 : f32
    %swap3A = arith.constant 0 : index
    %swap3A_58 = arith.constant 0 : index
    %swap3A_59 = memref.load %arg4[%swap3A, %swap3A_58] : memref<1x1xf32, #tpu.memory_space<smem>>
    memref.store %add3A_57, %arg4[%swap3A, %swap3A_58] : memref<1x1xf32, #tpu.memory_space<smem>>
    return
  }
}

</mosaic_0001>

<sc_bundles>
// kernel: kernel.5.cloned.1.call-start
scs
__scs_entry_jumppad:
0x0: {  	(pc) =	sbr.rel $0x88, $3  }
0x1: {  	(tag) =	ssettag $0x0;
	lr =	simm.s32 $0x1  }
0x2: {  	[smem:$0x3F9C] =	sst lr;
	_ =	strace $0xD0000000  }
0x3: {  	_ = 	snop  }
0x4: {  	_ = 	snop  }
0x5: {  	_ = 	snop  }
0x6: {  	_ = 	snop  }
0x7: {  	_ = 	snop  }
__scs_overlays_trampoline_lowered:
0x8: {  	[smem:$0x3FAB] =	sst s0  }
0x9: {  	[smem:$0x3FAC] =	sst s1  }
0xa: {  	[smem:$0x3FAD] =	sst s2  }
0xb: {  	[smem:$0x3FAE] =	sst s3  }
0xc: {  	[smem:$0x3FAF] =	sst s4  }
0xd: {  	[smem:$0x3FB0] =	sst s5  }
0xe: {  	[smem:$0x3FB1] =	sst s6  }
0xf: {  	[smem:$0x3FB2] =	sst s7  }
0x10: {  	[smem:$0x3FB3] =	sst s8  }
0x11: {  	[smem:$0x3FB4] =	sst s9;
	s0 =	simm.s32 @!p0 $0x0  }
0x12: {  	s1 =	sld [smem:$0x3F9A];
	s0 =	simm.s32 @p0 $0x1  }
0x13: {  	[smem:$0x3FB5] =	sst s0;
	s0 =	simm.s32 @!p1 $0x0  }
0x14: {  	s2 =	sld [smem:$0x3F99];
	s0 =	simm.s32 @p1 $0x1  }
0x15: {  	[smem:$0x3FB6] =	sst s0;
	s0 =	simm.s32 @!p2 $0x0  }
0x16: {  	s3 =	sld [smem:$0x3FDB];
	s0 =	simm.s32 @p2 $0x1  }
0x17: {  	s4 =	simm.s32 $0x1BF5;
	[smem:$0x3FB8] =	sst s0  }
0x18: {  	s0 =	sld [smem:$0x3F9B];
	_ =	swait.ge [sflag:s4], $0x0  }
0x19: {  	s7 =	sld [smem:$0x3F9C]  }
0x1a: {  	s8 =	sadd.s32 $0xFFFFE003, lr  }
0x1b: {  	s9 =	sadd.s32 $0xFFFFFEF7, lr;
	s5 =	simm.s32 $0xFFFFFFFF;
	p2 =	slt.u32 s8, $0xFFFFF086  }
0x1c: {  	p1 =	slt.u32 s9, $0xF7A;
	s5 =	simm.s32 @!p2 $0x0  }
0x1d: {  	s5 =	simm.s32 @p1 $0x1;
	p0 =	seq.s32 s7, s2  }
0x1e: {  	s7 =	smul.u32 @!p0 $0xF7A, s2;
	p2 =	seq.s32 @!p0 s5, $0x0  }
0x1f: {  	s9 =	smul.u32 $0xF7A, s1;
	s8 =	simm.s32 @!p0 $0x1BF5;
	p2 =	por !p2, p0  }
0x20: {  	[sflag:s8] =	ssyncset.s32 @!p0 $0xFFFFF086;
	s6 =	sadd.s32 @!p0 s3, s7;
	s7 =	simm.s32 @!p0 $0x108  }
0x21: {  	s3 =	sadd.s32 s3, s9;
	s6 =	sadd.s32 @!p0 $0x88, s6;
	s7 =	simm.s32 @p2 $0x1082  }
0x22: {  	[simem:s7], [sflag:s8] =	dma.local @!p0 [hbm:s6], $0xF7A  }
0x23: {  	s9 =	sor.u32 $0xD0000000, s2;
	s6 =	simm.s32 $0x108;
	_ =	swait.ge @!p0 [sflag:s8], $0x0  }
0x24: {  	s3 =	sadd.s32 $0x88, s3;
	s6 =	simm.s32 @!p1 $0x1082;
	[sflag:s4] =	ssyncset.s32 $0xFFFFF086  }
0x25: {  	[simem:s6], [sflag:s4] =	dma.local [hbm:s3], $0xF7A  }
0x26: {  	[smem:$0x3F9C] =	sst s1;
	(tag) =	ssettag s2;
	_ =	strace s9  }
0x27: {  	s1 =	sld [smem:$0x3FAC]  }
0x28: {  	s2 =	sld [smem:$0x3FAD]  }
0x29: {  	s4 =	sld [smem:$0x3FAF]  }
0x2a: {  	p0 =	seq.s32 s5, $0x0;
	s5 =	sld [smem:$0x3FB0]  }
0x2b: {  	s6 =	sld [smem:$0x3FB1]  }
0x2c: {  	s7 =	sld [smem:$0x3FB2]  }
0x2d: {  	s3 =	simm.s32 $0x108;
	s8 =	sld [smem:$0x3FB3]  }
0x2e: {  	s3 =	simm.s32 @!p0 $0x1082;
	s9 =	sld [smem:$0x3FB4]  }
0x2f: {  	lr =	sadd.s32 s0, s3;
	s0 =	sld [smem:$0x3FAB]  }
0x30: {  	s3 =	sld [smem:$0x3FAE]  }
0x31: {  	[smem:$0x3FB7] =	sst s10  }
0x32: {  	s10 =	sld [smem:$0x3FB5];
	_ =	sdelay $0x3  }
0x33: {  	p0 =	seq.s32 s10, $0x1;
	s10 =	sld [smem:$0x3FB7];
	_ =	sdelay $0x3  }
0x34: {  	[smem:$0x3FB7] =	sst s10  }
0x35: {  	s10 =	sld [smem:$0x3FB6];
	_ =	sdelay $0x3  }
0x36: {  	p1 =	seq.s32 s10, $0x1;
	s10 =	sld [smem:$0x3FB7];
	_ =	sdelay $0x3  }
0x37: {  	[smem:$0x3FB7] =	sst s10  }
0x38: {  	s10 =	sld [smem:$0x3FB8]  }
0x39: {  	_ = 	snop;
	(pc) =	sbr.ind lr, $3  }
0x3a: {  	_ = 	snop  }
0x3b: {  	_ = 	snop  }
0x3c: {  	p2 =	seq.s32 s10, $0x1;
	s10 =	sld [smem:$0x3FB7]  }
0x3d: {  	_ =	shalt  }
0x3e: {  	_ =	shalt  }
0x3f: {  	_ =	shalt  }
0x40: {  	_ =	shalt  }
0x41: {  	_ =	shalt  }
0x42: {  	_ =	shalt  }
0x43: {  	_ =	shalt  }
0x44: {  	_ =	shalt  }
0x45: {  	_ =	shalt  }
0x46: {  	_ =	shalt  }
0x47: {  	_ =	shalt  }
0x48: {  	_ =	shalt  }
0x49: {  	_ =	shalt  }
0x4a: {  	_ =	shalt  }
0x4b: {  	_ =	shalt  }
0x4c: {  	_ =	shalt  }
0x4d: {  	_ =	shalt  }
0x4e: {  	_ =	shalt  }
0x4f: {  	_ =	shalt  }
0x50: {  	_ =	shalt  }
0x51: {  	_ =	shalt  }
0x52: {  	_ =	shalt  }
0x53: {  	_ =	shalt  }
0x54: {  	_ =	shalt  }
0x55: {  	_ =	shalt  }
0x56: {  	_ =	shalt  }
0x57: {  	_ =	shalt  }
0x58: {  	_ =	shalt  }
0x59: {  	_ =	shalt  }
0x5a: {  	_ =	shalt  }
0x5b: {  	_ =	shalt  }
0x5c: {  	_ =	shalt  }
0x5d: {  	_ =	shalt  }
0x5e: {  	_ =	shalt  }
0x5f: {  	_ =	shalt  }
0x60: {  	_ =	shalt  }
0x61: {  	_ =	shalt  }
0x62: {  	_ =	shalt  }
0x63: {  	_ =	shalt  }
0x64: {  	_ =	shalt  }
0x65: {  	_ =	shalt  }
0x66: {  	_ =	shalt  }
0x67: {  	_ =	shalt  }
0x68: {  	_ =	shalt  }
0x69: {  	_ =	shalt  }
0x6a: {  	_ =	shalt  }
0x6b: {  	_ =	shalt  }
0x6c: {  	_ =	shalt  }
0x6d: {  	_ =	shalt  }
0x6e: {  	_ =	shalt  }
0x6f: {  	_ =	shalt  }
0x70: {  	_ =	shalt  }
0x71: {  	_ =	shalt  }
0x72: {  	_ =	shalt  }
0x73: {  	_ =	shalt  }
0x74: {  	_ =	shalt  }
0x75: {  	_ =	shalt  }
0x76: {  	_ =	shalt  }
0x77: {  	_ =	shalt  }
0x78: {  	_ =	shalt  }
0x79: {  	_ =	shalt  }
0x7a: {  	_ =	shalt  }
0x7b: {  	_ =	shalt  }
0x7c: {  	_ =	shalt  }
0x7d: {  	_ =	shalt  }
0x7e: {  	_ =	shalt  }
0x7f: {  	_ =	shalt  }
0x80: {  	_ =	shalt  }
0x81: {  	_ =	shalt  }
0x82: {  	_ =	shalt  }
0x83: {  	_ =	shalt  }
0x84: {  	_ =	shalt  }
0x85: {  	_ =	shalt  }
0x86: {  	_ =	shalt  }
0x87: {  	_ =	shalt  }
.Lfunc_end0:
.L_simem_size_0:
called_computation_lowered:
.L_overlay_start_0:
0x88: {  	s2 =	sld [smem:$0x3FD9]  }
0x89: {  	s3 =	sld [smem:$0x3FFE];
	_ =	sdelay $0x1  }
0x8a: {  	s1 =	srdreg.scid  }
0x8b: {  	s0 =	sand.u32 $0x1, s1  }
0x8c: {  	s17 =	sshll.u32 s0, $0xA;
	s2 =	sadd.s32 s3, s2  }
0x8d: {  	s2 =	sadd.s32 s2, s17  }
0x8e: {  	[smem:$0x3FC3] =	sst s2  }
0x8f: {  	_ = 	snop  }
0x90: {  	s2 =	sld [smem:$0x3FC7];
	(tm) =	ssettm $0x1  }
0x91: {  	s18 =	sld [smem:$0x3FFB];
	_ =	sdelay $0x3  }
0x92: {  	_ =	strace s18  }
0x93: {  	s3 =	sld [smem:$0x3FFC];
	_ =	sdelay $0x3  }
0x94: {  	_ =	strace s3  }
0x95: {  	s3 =	sld [smem:$0x3FFD];
	_ =	sdelay $0x3  }
0x96: {  	_ =	strace s3  }
0x97: {  	_ =	strace $0x8FFFFFFF  }
0x98: {  	s19 =	sld [smem:$0x3FDB];
	_ =	sdelay $0x1  }
0x99: {  	s4 =	simm.s32 $_scs_section_size  }
0x9a: {  	s5 =	simm.s32 $_size__tile_overlayer_lowered;
	s6 =	simm.s32 $_tile_overlayer_lowered  }
0x9b: {  	s22 =	simm.s32 $0x1BFF;
	s21 =	sshll.u32 s6, $0x1;
	s3 =	sadd.s32 s4, s19  }
0x9c: {  	s7 =	simm.s32 $0x0;
	s20 =	sshll.u32 s5, $0x1;
	s5 =	sadd.s32 s21, s3  }
0x9d: {  	[timem:s7], [sflag:s22] =	dma.local [hbm:s5], s20  }
0x9e: {  	_ =	swait.ge [sflag:s22], s20  }
0x9f: {  	s4 =	ssub.s32 $0x0, s20;
	[sflag:s22] =	ssyncset.done $0x0  }
0xa0: {  	[sflag:s22] =	ssyncadd.s32 s4;
	_ =	sdelay $0x1  }
0xa1: {  	s23 =	simm.s32 $0x1B8B  }
0xa2: {  	_ =	swait.ge [sflag:s23], $0x1  }
0xa3: {  	[sflag:s23] =	ssyncset.done $0x0  }
0xa4: {  	s25 =	simm.s32 $0x1B8E;
	s24 =	sld [smem:$0x3FFE];
	[sflag:s23] =	ssyncadd.s32 $0xFFFFFFFF  }
0xa5: {  	s26 =	simm.s32 $execute0_lowered;
	[smem:$0x3FD2] =	sst s25  }
0xa6: {  	s5 =	sshll.u32 s26, $0x1;
	_ =	strace $0x80000046;
	[dreg:$0x1] =	wrdreg $0xFFFFFFFF  }
0xa7: {  	s28 =	simm.s32 $_size_execute0_lowered;
	s3 =	sadd.s32 s3, s5;
	[dreg:$0x0] =	wrdreg $0x0  }
0xa8: {  	s5 =	sshll.u32 s28, $0x1;
	[dreg:$0x2] =	wrdreg s3  }
0xa9: {  	[dreg:$0x3] =	wrdreg s5  }
0xaa: {  	[dreg:$0x4] =	wrdreg $0xC0  }
0xab: {  	_ =	task [dreg:s7], $0x5FFFF  }
0xac: {  	[dreg:$0x1] =	wrdreg $0xFFFFFFFF  }
0xad: {  	[dreg:$0x0] =	wrdreg $0x60  }
0xae: {  	[dreg:$0x2] =	wrdreg s24  }
0xaf: {  	[dreg:$0x3] =	wrdreg s2  }
0xb0: {  	[dreg:$0x4] =	wrdreg $0x9  }
0xb1: {  	_ =	task.clear_ibuf [dreg:s7], $0x5FFFF;
	_ =	strace $0x90000046  }
0xb2: {  	s29 =	simm.s32 $0x9;
	_ =	strace $0x80000048  }
0xb3: {  	_ =	swait.ge [sflag:s29], $0x1  }
0xb4: {  	[sflag:s29] =	ssyncadd.s32 $0xFFFFFFFF  }
0xb5: {  	_ =	strace $0x90000048  }
0xb6: {  	_ =	sfence  }
0xb7: {  	s30 =	sld [smem:$0x0];
	_ =	sdelay $0x2  }
0xb8: {  	s31 =	sshll.u32 s1, $0xD;
	s1 =	sshrl.u32 s1, $0x2  }
0xb9: {  	s3 =	sand.u32 $0x4000, s31;
	s1 =	sadd.s32 s1, s30  }
0xba: {  	s0 =	sor.u32 s3, s0;
	s1 =	sshll.u32 s1, $0x11  }
0xbb: {  	s0 =	sor.u32 s1, s0  }
0xbc: {  	s0 =	sadd.s32 $0x8F2B, s0  }
0xbd: {  	[sflag:s0] =	ssyncadd.remote.s32 $0x1  }
0xbe: {  	_ =	sfence.sel $0xFFFF  }
0xbf: {  	[dreg:$0x0] =	wrdreg $0xFFFFFFFF;
	(pc) =	sbr.abs _section_cstart, $3  }
0xc0: {  	[dreg:$0x1] =	wrdreg $0xFFFFFFFF  }
0xc1: {  	_ =	task.clear_ibuf [dreg:s7], $0x2FFFF;
	_ =	strace $0x9FFFFFFF  }
0xc2: {  	(tm) =	ssettm $0x7FFFFFFF  }
0xc3: {  	_ =	shalt  }
tec
execute0_lowered:
.L_overlay_start_1:
0x0: {  	(tag) =	ssettag $0x1  }
0x1: {  	s1 =	srdreg.scid  }
0x2: {  	s11 =	rddreg [dreg:$0x0];
	s0 =	stileid.u32;
	s12 =	sand.u32 $0x1, s1  }
0x3: {  	s3 =	rddreg [dreg:$0x1];
	s4 =	sshll.u32 s0, $0x6;
	s5 =	sshll.u32 s12, $0x5  }
0x4: {  	s2 =	simm.s32 $0x0;
	s1 =	rddreg [dreg:$0x2];
	s13 =	sor.u32 s5, s4  }
0x5: {  	[smem:$0x7FF] =	sst s2;
	s4 =	sshrl.u32 s13, $0x3  }
0x6: {  	_ =	strace $0x80000047;
	s4 =	sadd.s32 s3, s4;
	s3 =	simm.s32 $0x3  }
0x7: {  	[tilespmem:s2], [sflag:$0x3] =	stream.linear.gather [hbm4b:s4+s2], $0x20, $0x38;
	[tilespmem:$0x420] =	vst v63  }
0x8: {  	_ =	swait.ge [sflag:s3], $0x20  }
0x9: {  	[sflag:s3] =	ssyncset.done $0x0  }
0xa: {  	s6 =	simm.s32 $0x20;
	s5 =	sadd.s32 $0x2C00, s11;
	[sflag:s3] =	ssyncadd.s32 $0xFFFFFFE0  }
0xb: {  	[tilespmem:s6], [sflag:$0x1] =	stream.indirect.gather [hbm4b:s5+s6], $0x10, s2, s6, $0xb8;
	[tilespmem:$0x420] =	vst v63  }
0xc: {  	s8 =	simm.s32 $0x220;
	s9 =	simm.s32 $0x1;
	s7 =	sadd.s32 $0x33A00, s11  }
0xd: {  	[tilespmem:s8], [sflag:$0x2] =	stream.indirect.gather [hbm4b:s7+s6], $0x10, s2, s6, $0xb8;
	[tilespmem:$0x420] =	vst v63  }
0xe: {  	_ =	swait.ge [sflag:s9], $0x200  }
0xf: {  	[sflag:s9] =	ssyncset.done $0x0  }
0x10: {  	s10 =	simm.s32 $0x2;
	s12 =	ssub.s32 $0x2, s12;
	[sflag:s9] =	ssyncadd.s32 $0xFFFFFE00  }
0x11: {  	s14 =	sshrl.u32 s12, $0x1;
	s13 =	sshll.u32 s13, $0x1;
	_ =	swait.ge [sflag:s10], $0x200  }
0x12: {  	s14 =	ssub.s32 s12, s14;
	s13 =	sadd.s32 s13, s11;
	[sflag:s10] =	ssyncset.done $0x0  }
0x13: {  	s31 =	smax.u32 s14, $0x1;
	s11 =	sadd.s32 $0x65000, s13;
	[sflag:s10] =	ssyncadd.s32 $0xFFFFFE00  }
0x14: {  	[hbm4b:s11+s2] =	stream.linear.scatter [tilespmem:s6], [sflag:$0x3], $0x200, $0x38;
	[tilespmem:$0x420] =	vst v63  }
0x15: {  	p0 =	sne.s32 s31, $0x1;
	_ =	swait.ge [sflag:s3], $0x200  }
.Ltmp0:
0x16: {  	[sflag:s3] =	ssyncset.done $0x0;
	(pc) =	sbr.rel @!p0 .LBB2_2-.Ltmp0, $4  }
0x17: {  	s12 =	sadd.s32 $0x64800, s13;
	[sflag:s3] =	ssyncadd.s32 $0xFFFFFE00  }
0x18: {  	[hbm4b:s12+s2] =	stream.linear.scatter [tilespmem:s8], [sflag:$0x3], $0x200, $0x38;
	[tilespmem:$0x420] =	vst v63  }
0x19: {  	_ =	swait.ge [sflag:s3], $0x200  }
0x1a: {  	s13 =	sadd.s32 $0xFFFFFFFF, s31;
	[sflag:s3] =	ssyncset.done $0x0  }
.LBB2_1:
0x1b: {  	p0 =	sne.s32 s13, $0x1;
	s13 =	sadd.s32 $0xFFFFFFFF, s13;
	[sflag:s3] =	ssyncadd.s32 $0xFFFFFE00  }
0x1c: {  	[tilespmem:s2], [sflag:$0x3] =	stream.linear.gather [hbm4b:s4+s2], $0x20, $0x38;
	[tilespmem:$0x420] =	vst v63  }
0x1d: {  	_ =	swait.ge [sflag:s3], $0x20  }
0x1e: {  	[sflag:s3] =	ssyncset.done $0x0  }
0x1f: {  	[sflag:s3] =	ssyncadd.s32 $0xFFFFFFE0  }
0x20: {  	[tilespmem:s6], [sflag:$0x1] =	stream.indirect.gather [hbm4b:s5+s6], $0x10, s2, s6, $0xb8;
	[tilespmem:$0x420] =	vst v63  }
0x21: {  	_ = 	snop  }
0x22: {  	[tilespmem:s8], [sflag:$0x2] =	stream.indirect.gather [hbm4b:s7+s6], $0x10, s2, s6, $0xb8;
	[tilespmem:$0x420] =	vst v63  }
0x23: {  	_ =	swait.ge [sflag:s9], $0x200  }
0x24: {  	[sflag:s9] =	ssyncset.done $0x0  }
0x25: {  	[sflag:s9] =	ssyncadd.s32 $0xFFFFFE00  }
0x26: {  	_ =	swait.ge [sflag:s10], $0x200  }
0x27: {  	[sflag:s10] =	ssyncset.done $0x0  }
0x28: {  	[sflag:s10] =	ssyncadd.s32 $0xFFFFFE00  }
0x29: {  	[hbm4b:s11+s2] =	stream.linear.scatter [tilespmem:s6], [sflag:$0x3], $0x200, $0x38;
	[tilespmem:$0x420] =	vst v63  }
0x2a: {  	_ =	swait.ge [sflag:s3], $0x200  }
.Ltmp1:
0x2b: {  	[sflag:s3] =	ssyncset.done $0x0;
	(pc) =	sbr.rel @p0 .LBB2_1-.Ltmp1, $4  }
0x2c: {  	[sflag:s3] =	ssyncadd.s32 $0xFFFFFE00  }
0x2d: {  	[hbm4b:s12+s2] =	stream.linear.scatter [tilespmem:s8], [sflag:$0x3], $0x200, $0x38;
	[tilespmem:$0x420] =	vst v63  }
0x2e: {  	_ =	swait.ge [sflag:s3], $0x200  }
0x2f: {  	[sflag:s3] =	ssyncset.done $0x0  }
.LBB2_2:
0x30: {  	[sflag:s3] =	ssyncadd.s32 $0xFFFFFE00  }
0x31: {  	_ =	sfence.sel $0x180000  }
0x32: {  	[bflag:$0x0] =	sbarrier.arrive $0xFFFF  }
0x33: {  	p0 =	sne.s32 s0, $0x0;
	_ =	strace $0x90000047  }
0x34: {  	s0 =	sadd.s32 @!p0 $0x100000, s1;
	[bflag:$0x2] =	sbarrier.arrive $0xFFFF  }
0x35: {  	[sflag:s0] =	ssyncadd.tile.s32 @!p0 $0x1;
	_ =	shalt  }
.Lfunc_end2:
_tile_overlayer_lowered:
.L_overlay_start_2:
0x36: {  	(tag) =	ssettag $0x2  }
0x37: {  	s0 =	rddreg [dreg:$0x0];
	s2 =	stileid.u32  }
0x38: {  	s1 =	rddreg [dreg:$0x1];
	p0 =	sne.s32 s2, $0x0  }
0x39: {  	s3 =	rddreg [dreg:$0x2];
	[bflag:$0x3] =	sbarrier.arrive $0xFFFF;
	s2 =	simm.s32 @!p0 $0x1C03  }
0x3a: {  	[timem:s3], [sflag:s2] =	dma.local @!p0 [hbm:s0], s1  }
0x3b: {  	s0 =	simm.s32 @!p0 $0x3  }
0x3c: {  	_ =	swait.ge @!p0 [sflag:s0], s1  }
0x3d: {  	s1 =	ssub.s32 @!p0 $0x0, s1;
	[sflag:s0] =	ssyncset.done @!p0 $0x0  }
0x3e: {  	[sflag:s0] =	ssyncadd.s32 @!p0 s1  }
0x3f: {  	[bflag:$0x3] =	sbarrier.arrive $0xFFFF  }
0x40: {  	_ =	shalt  }

</sc_bundles>
